<compile_context>
chip_gen: v7x
topology: tpu7x:2x2x1
jax: 0.10.2.dev20260603
libtpu: 0.0.44.dev20260713+nightly
codegen_flags: <defaults>
</compile_context>

<pallas_src>
import functools

import jax
import jax.numpy as jnp
from jax import lax
from jax.experimental import pallas as pl
from jax.experimental.pallas import tpu as pltpu
from jax.experimental.pallas import tpu_sc as plsc

NUM_LAYERS = 2
POOL_SIZE = 1000
LENGTH = 5
NUM_HEADS = 12
EMBED_DIM = 768
HEAD_DIM = EMBED_DIM // NUM_HEADS
TOP_K = 4
BATCH = 128
SEQ = 197

ROW_D = LENGTH * EMBED_DIM
TABLE_ROWS = NUM_LAYERS * 2 * POOL_SIZE
OUT_ROWS = NUM_LAYERS * 2 * BATCH * TOP_K
NUM_WORKERS = 32
ROWS_PER_W = OUT_ROWS // NUM_WORKERS
CHUNK = 16
NCHUNK = ROWS_PER_W // CHUNK

XB = 8


def _xnorm_body(x_ref, o_ref):
    x = x_ref[...]
    m = jnp.mean(x, axis=1)
    ss = jnp.sum(m * m, axis=-1, keepdims=True)
    o_ref[...] = m * lax.rsqrt(jnp.maximum(ss, 1e-12))


def _topk_body(xn_ref, key_ref, idx_ref, rs_ref):
    xn = xn_ref[...]
    key = key_ref[...]
    ss = jnp.sum(key * key, axis=-1, keepdims=True)
    keyn = key * lax.rsqrt(jnp.maximum(ss, 1e-12))
    sim = lax.dot_general(xn, keyn, (((1,), (1,)), ((), ())),
                          preferred_element_type=jnp.float32)
    iota = lax.broadcasted_iota(jnp.int32, sim.shape, 1)
    total = jnp.float32(0.0)
    cols = []
    for _ in range(TOP_K):
        m = jnp.max(sim, axis=1, keepdims=True)
        am = jnp.min(jnp.where(sim == m, iota, jnp.int32(2**30)),
                     axis=1, keepdims=True)
        cols.append(am)
        total = total + jnp.sum(m)
        sim = jnp.where(iota == am, -jnp.inf, sim)
    idx_ref[...] = jnp.concatenate(cols, axis=1)
    rs_ref[...] = jnp.full((1, 1), total / BATCH, jnp.float32)


@functools.cache
def _make_sc_gather():
    mesh = plsc.VectorSubcoreMesh(core_axis_name="c", subcore_axis_name="s")

    @functools.partial(
        pl.kernel,
        mesh=mesh,
        out_type=jax.ShapeDtypeStruct((OUT_ROWS, ROW_D), jnp.float32),
        scratch_types=[
            pltpu.VMEM((NCHUNK, CHUNK), jnp.int32),
            pltpu.VMEM((CHUNK, ROW_D), jnp.float32),
            pltpu.VMEM((CHUNK, ROW_D), jnp.float32),
            pltpu.SemaphoreType.DMA,
            pltpu.SemaphoreType.DMA,
        ],
    )
    def _sc_gather(table_hbm, g_hbm, out_hbm, idx_v, buf0, buf1, sem0, sem1):
        wid = lax.axis_index("s") * 2 + lax.axis_index("c")
        base = wid * ROWS_PER_W
        pltpu.sync_copy(g_hbm.at[wid], idx_v)
        bufs = (buf0, buf1)
        sems = (sem0, sem1)
        handles = [None, None]
        handles[0] = pltpu.async_copy(table_hbm.at[idx_v.at[0]], bufs[0], sems[0])
        for c in range(NCHUNK):
            nxt = c + 1
            if nxt < NCHUNK:
                handles[nxt % 2] = pltpu.async_copy(
                    table_hbm.at[idx_v.at[nxt]], bufs[nxt % 2], sems[nxt % 2])
            handles[c % 2].wait()
            pltpu.sync_copy(bufs[c % 2],
                            out_hbm.at[pl.ds(base + c * CHUNK, CHUNK)])

    return _sc_gather


def kernel(x_embed, prompt, prompt_key):
    x_norm = pl.pallas_call(
        _xnorm_body,
        grid=(BATCH // XB,),
        in_specs=[pl.BlockSpec((XB, SEQ, EMBED_DIM), lambda i: (i, 0, 0))],
        out_specs=pl.BlockSpec((XB, EMBED_DIM), lambda i: (i, 0)),
        out_shape=jax.ShapeDtypeStruct((BATCH, EMBED_DIM), jnp.float32),
    )(x_embed)

    idx, rs = pl.pallas_call(
        _topk_body,
        in_specs=[
            pl.BlockSpec((BATCH, EMBED_DIM), lambda: (0, 0)),
            pl.BlockSpec((POOL_SIZE, EMBED_DIM), lambda: (0, 0)),
        ],
        out_specs=[
            pl.BlockSpec((BATCH, TOP_K), lambda: (0, 0)),
            pl.BlockSpec((1, 1), lambda: (0, 0)),
        ],
        out_shape=[
            jax.ShapeDtypeStruct((BATCH, TOP_K), jnp.int32),
            jax.ShapeDtypeStruct((1, 1), jnp.float32),
        ],
    )(x_norm, prompt_key)

    j = jnp.arange(NUM_LAYERS * BATCH)
    d_in = (j // BATCH).astype(jnp.int32)
    l = jnp.arange(NUM_LAYERS, dtype=jnp.int32)
    g = ((l[:, None, None] * 2 + d_in[None, :, None]) * POOL_SIZE
         + idx[j % BATCH][None])
    g = g.reshape(NUM_WORKERS, NCHUNK, CHUNK).astype(jnp.int32)

    table = prompt.reshape(TABLE_ROWS, ROW_D)
    rows = _make_sc_gather()(table, g)
    batched_prompt = rows.reshape(
        NUM_LAYERS, BATCH, 2, TOP_K * LENGTH, NUM_HEADS, HEAD_DIM)
    return (batched_prompt, rs[0, 0])

# --- scband reference (transcript-rebuilt; emitter-appended) ---
"""Pipeline reference for scband-eprompt-69475390980437 (READ-ONLY COPY).

The authoritative reference and input builder live on the scoring server;
editing this copy changes nothing except your own understanding.
"""

import jax, jax.numpy as jnp
import numpy as np

NUM_LAYERS = 2
POOL_SIZE = 1000
LENGTH = 5
NUM_HEADS = 12
EMBED_DIM = 768
HEAD_DIM = EMBED_DIM // NUM_HEADS
TOP_K = 4
BATCH = 128
SEQ = 197


def l2_normalize(x, axis=None, epsilon=1e-12):
    square_sum = jnp.sum(jnp.square(x), axis=axis, keepdims=True)
    x_inv_norm = jax.lax.rsqrt(jnp.maximum(square_sum, epsilon))
    return x * x_inv_norm


def setup_inputs(seed: int = 0) -> dict:
    key = jax.random.key(seed)
    k1, k2, k3 = jax.random.split(key, 3)
    x_embed = jax.random.normal(k1, (BATCH, SEQ, EMBED_DIM), dtype=jnp.float32)
    # prompt pool: (num_layers, 2 (k/v), pool_size, length, num_heads, head_dim), uniform(-1, 1)
    prompt = jax.random.uniform(k2, (NUM_LAYERS, 2, POOL_SIZE, LENGTH, NUM_HEADS, HEAD_DIM), dtype=jnp.float32, minval=-1.0, maxval=1.0)
    prompt_key = jax.random.uniform(k3, (POOL_SIZE, EMBED_DIM), dtype=jnp.float32, minval=-1.0, maxval=1.0)
    return {"x_embed": x_embed, "prompt": prompt, "prompt_key": prompt_key}


def reference(x_embed, prompt, prompt_key):
    # embedding_key == 'mean'
    x_embed_mean = jnp.mean(x_embed, axis=1)  # (B, D)
    prompt_key_norm = l2_normalize(prompt_key, axis=-1)  # (P, D)
    x_embed_norm = l2_normalize(x_embed_mean, axis=-1)  # (B, D)
    similarity = jnp.matmul(prompt_key_norm, x_embed_norm.T)  # (P, B)
    similarity = similarity.T  # (B, P)
    similarity_top_k, idx = jax.lax.top_k(similarity, TOP_K)  # (B, top_k)
    # prefix-tune gather: prompt[:, :, idx]
    batched_prompt_raw = jnp.take(prompt, idx, axis=2)  # (L, 2, B, top_k, length, H, hd)
    num_layers, dual, batch_size, top_k, length, num_heads, heads_embed_dim = batched_prompt_raw.shape
    batched_prompt = batched_prompt_raw.reshape(num_layers, batch_size, dual, top_k * length, num_heads, heads_embed_dim)
    batched_key_norm = prompt_key_norm[idx]  # (B, top_k, D)
    x_embed_norm_e = x_embed_norm[:, None, :]  # (B, 1, D)
    sim = batched_key_norm * x_embed_norm_e  # (B, top_k, D)
    reduce_sim = jnp.sum(sim) / x_embed.shape[0]
    return (batched_prompt, reduce_sim)

if __name__ == "__main__":
    import jax
    _d = setup_inputs()
    print(jax.jit(kernel)(*tuple(_d.values())))

</pallas_src>

<mosaic_0001>
#map = affine_map<(d0, d1) -> (0, 0)>
#map1 = affine_map<(d0, d1) -> (0, 0, 0)>
module attributes {stable_mosaic.version = 14 : i64} {
  func.func @_sc_gather(%arg0: i32, %arg1: i32, %arg2: memref<4000x3840xf32, #tpu.memory_space<hbm>>, %arg3: memref<32x4x16xi32, #tpu.memory_space<hbm>>, %arg4: memref<2048x3840xf32, #tpu.memory_space<hbm>>, %arg5: memref<4x16xi32, #tpu.memory_space<vmem>>, %arg6: memref<16x3840xf32, #tpu.memory_space<vmem>>, %arg7: memref<16x3840xf32, #tpu.memory_space<vmem>>, %arg8: memref<!tpu.dma_semaphore, #tpu.memory_space<semaphore_mem>>, %arg9: memref<!tpu.dma_semaphore, #tpu.memory_space<semaphore_mem>>) attributes {dimension_semantics = [#tpu.dimension_semantics<core_parallel>, #tpu.dimension_semantics<subcore_parallel>], iteration_bounds = array<i64: 2, 16>, scalar_prefetch = 0 : i64, scratch_operands = 5 : i64, tpu.core_type = #tpu.core_type<sc_vector_subcore>, window_params = [{transform_indices = #map}, {transform_indices = #map1}, {transform_indices = #map}]} {
    %mul3A = arith.constant 2 : i32
    %mul3A_0 = arith.muli %arg1, %mul3A : i32
    %add3A = arith.addi %mul3A_0, %arg0 : i32
    %mul3A_1 = arith.constant 64 : i32
    %mul3A_2 = arith.muli %add3A, %mul3A_1 : i32
    "tpu.region"() ({
      %run_scoped3A = tpu.sem_alloc : memref<!tpu.dma_semaphore, #tpu.memory_space<semaphore_mem>>
      %dma_start3A_65 = arith.constant 0 : i32
      %dma_start3A_66 = arith.constant 0 : i32
      %dma_start3A_67 = tpu.memref_slice %arg3[%add3A, %dma_start3A_65, %dma_start3A_66] : memref<32x4x16xi32, #tpu.memory_space<hbm>> -> memref<1x4x16xi32, #tpu.memory_space<hbm>>
      %dma_start3A_68 = tpu.memref_squeeze %dma_start3A_67 : memref<1x4x16xi32, #tpu.memory_space<hbm>> -> memref<4x16xi32, #tpu.memory_space<hbm>>
      %dma_start3A_69 = arith.constant 0 : i32
      %dma_start3A_70 = arith.constant 0 : i32
      %dma_start3A_71 = tpu.memref_slice %arg3[%add3A, %dma_start3A_69, %dma_start3A_70] : memref<32x4x16xi32, #tpu.memory_space<hbm>> -> memref<1x4x16xi32, #tpu.memory_space<hbm>>
      %dma_start3A_72 = tpu.memref_squeeze %dma_start3A_71 : memref<1x4x16xi32, #tpu.memory_space<hbm>> -> memref<4x16xi32, #tpu.memory_space<hbm>>
      tpu.enqueue_dma source(%dma_start3A_72 : memref<4x16xi32, #tpu.memory_space<hbm>>) target(%arg5 : memref<4x16xi32, #tpu.memory_space<vmem>>) target_semaphore(%run_scoped3A : memref<!tpu.dma_semaphore, #tpu.memory_space<semaphore_mem>>)
      %dma_wait3A_73 = arith.constant 0 : i32
      %dma_wait3A_74 = arith.constant 0 : i32
      %dma_wait3A_75 = tpu.memref_slice %arg3[%add3A, %dma_wait3A_73, %dma_wait3A_74] : memref<32x4x16xi32, #tpu.memory_space<hbm>> -> memref<1x4x16xi32, #tpu.memory_space<hbm>>
      %dma_wait3A_76 = tpu.memref_squeeze %dma_wait3A_75 : memref<1x4x16xi32, #tpu.memory_space<hbm>> -> memref<4x16xi32, #tpu.memory_space<hbm>>
      %dma_wait3A_77 = arith.constant 0 : i32
      %dma_wait3A_78 = arith.constant 0 : i32
      %dma_wait3A_79 = tpu.memref_slice %arg3[%add3A, %dma_wait3A_77, %dma_wait3A_78] : memref<32x4x16xi32, #tpu.memory_space<hbm>> -> memref<1x4x16xi32, #tpu.memory_space<hbm>>
      %dma_wait3A_80 = tpu.memref_squeeze %dma_wait3A_79 : memref<1x4x16xi32, #tpu.memory_space<hbm>> -> memref<4x16xi32, #tpu.memory_space<hbm>>
      tpu.wait_dma2 semaphore(%run_scoped3A : memref<!tpu.dma_semaphore, #tpu.memory_space<semaphore_mem>>) src(%dma_wait3A_80 : memref<4x16xi32, #tpu.memory_space<hbm>>) dst(%arg5 : memref<4x16xi32, #tpu.memory_space<vmem>>)
      tpu.yield
    }) : () -> ()
    %dma_start3A = arith.constant 0 : i32
    %dma_start3A_3 = arith.constant 0 : i32
    %dma_start3A_4 = tpu.memref_slice %arg5[%dma_start3A, %dma_start3A_3] : memref<4x16xi32, #tpu.memory_space<vmem>> -> memref<1x16xi32, #tpu.memory_space<vmem>>
    %dma_start3A_5 = tpu.memref_squeeze %dma_start3A_4 : memref<1x16xi32, #tpu.memory_space<vmem>> -> memref<16xi32, #tpu.memory_space<vmem>>
    %dma_start3A_6 = arith.constant 0 : i32
    %dma_start3A_7 = arith.constant 0 : i32
    %dma_start3A_8 = tpu.memref_slice %arg2[%dma_start3A_6, %dma_start3A_7] : memref<4000x3840xf32, #tpu.memory_space<hbm>> -> memref<4000x3840xf32, #tpu.memory_space<hbm>>
    tpu.enqueue_indirect_dma source(%dma_start3A_8 : memref<4000x3840xf32, #tpu.memory_space<hbm>>) target(%arg6 : memref<16x3840xf32, #tpu.memory_space<vmem>>) offsets(%dma_start3A_5 : memref<16xi32, #tpu.memory_space<vmem>>) semaphore(%arg8 : memref<!tpu.dma_semaphore, #tpu.memory_space<semaphore_mem>>)
    %dma_start3A_9 = arith.constant 1 : i32
    %dma_start3A_10 = arith.constant 0 : i32
    %dma_start3A_11 = tpu.memref_slice %arg5[%dma_start3A_9, %dma_start3A_10] : memref<4x16xi32, #tpu.memory_space<vmem>> -> memref<1x16xi32, #tpu.memory_space<vmem>>
    %dma_start3A_12 = tpu.memref_squeeze %dma_start3A_11 : memref<1x16xi32, #tpu.memory_space<vmem>> -> memref<16xi32, #tpu.memory_space<vmem>>
    %dma_start3A_13 = arith.constant 0 : i32
    %dma_start3A_14 = arith.constant 0 : i32
    %dma_start3A_15 = tpu.memref_slice %arg2[%dma_start3A_13, %dma_start3A_14] : memref<4000x3840xf32, #tpu.memory_space<hbm>> -> memref<4000x3840xf32, #tpu.memory_space<hbm>>
    tpu.enqueue_indirect_dma source(%dma_start3A_15 : memref<4000x3840xf32, #tpu.memory_space<hbm>>) target(%arg7 : memref<16x3840xf32, #tpu.memory_space<vmem>>) offsets(%dma_start3A_12 : memref<16xi32, #tpu.memory_space<vmem>>) semaphore(%arg9 : memref<!tpu.dma_semaphore, #tpu.memory_space<semaphore_mem>>)
    %dma_wait3A = arith.constant 0 : i32
    %dma_wait3A_16 = arith.constant 0 : i32
    %dma_wait3A_17 = tpu.memref_slice %arg5[%dma_wait3A, %dma_wait3A_16] : memref<4x16xi32, #tpu.memory_space<vmem>> -> memref<1x16xi32, #tpu.memory_space<vmem>>
    %dma_wait3A_18 = tpu.memref_squeeze %dma_wait3A_17 : memref<1x16xi32, #tpu.memory_space<vmem>> -> memref<16xi32, #tpu.memory_space<vmem>>
    %dma_wait3A_19 = arith.constant 0 : i32
    %dma_wait3A_20 = arith.constant 0 : i32
    %dma_wait3A_21 = tpu.memref_slice %arg2[%dma_wait3A_19, %dma_wait3A_20] : memref<4000x3840xf32, #tpu.memory_space<hbm>> -> memref<4000x3840xf32, #tpu.memory_space<hbm>>
    tpu.wait_indirect_dma semaphore(%arg8 : memref<!tpu.dma_semaphore, #tpu.memory_space<semaphore_mem>>) src(%dma_wait3A_21 : memref<4000x3840xf32, #tpu.memory_space<hbm>>) dst(%arg6 : memref<16x3840xf32, #tpu.memory_space<vmem>>)
    %add3A_22 = arith.constant 0 : i32
    %add3A_23 = arith.addi %mul3A_2, %add3A_22 : i32
    "tpu.region"() ({
      %run_scoped3A = tpu.sem_alloc : memref<!tpu.dma_semaphore, #tpu.memory_space<semaphore_mem>>
      %dma_start3A_65 = arith.constant 0 : i32
      %dma_start3A_66 = tpu.memref_slice %arg4[%add3A_23, %dma_start3A_65] : memref<2048x3840xf32, #tpu.memory_space<hbm>> -> memref<16x3840xf32, #tpu.memory_space<hbm>>
      %dma_start3A_67 = arith.constant 0 : i32
      %dma_start3A_68 = tpu.memref_slice %arg4[%add3A_23, %dma_start3A_67] : memref<2048x3840xf32, #tpu.memory_space<hbm>> -> memref<16x3840xf32, #tpu.memory_space<hbm>>
      tpu.enqueue_dma source(%arg6 : memref<16x3840xf32, #tpu.memory_space<vmem>>) target(%dma_start3A_68 : memref<16x3840xf32, #tpu.memory_space<hbm>>) target_semaphore(%run_scoped3A : memref<!tpu.dma_semaphore, #tpu.memory_space<semaphore_mem>>)
      %dma_wait3A_69 = arith.constant 0 : i32
      %dma_wait3A_70 = tpu.memref_slice %arg4[%add3A_23, %dma_wait3A_69] : memref<2048x3840xf32, #tpu.memory_space<hbm>> -> memref<16x3840xf32, #tpu.memory_space<hbm>>
      %dma_wait3A_71 = arith.constant 0 : i32
      %dma_wait3A_72 = tpu.memref_slice %arg4[%add3A_23, %dma_wait3A_71] : memref<2048x3840xf32, #tpu.memory_space<hbm>> -> memref<16x3840xf32, #tpu.memory_space<hbm>>
      tpu.wait_dma2 semaphore(%run_scoped3A : memref<!tpu.dma_semaphore, #tpu.memory_space<semaphore_mem>>) src(%arg6 : memref<16x3840xf32, #tpu.memory_space<vmem>>) dst(%dma_wait3A_72 : memref<16x3840xf32, #tpu.memory_space<hbm>>)
      tpu.yield
    }) : () -> ()
    %dma_start3A_24 = arith.constant 2 : i32
    %dma_start3A_25 = arith.constant 0 : i32
    %dma_start3A_26 = tpu.memref_slice %arg5[%dma_start3A_24, %dma_start3A_25] : memref<4x16xi32, #tpu.memory_space<vmem>> -> memref<1x16xi32, #tpu.memory_space<vmem>>
    %dma_start3A_27 = tpu.memref_squeeze %dma_start3A_26 : memref<1x16xi32, #tpu.memory_space<vmem>> -> memref<16xi32, #tpu.memory_space<vmem>>
    %dma_start3A_28 = arith.constant 0 : i32
    %dma_start3A_29 = arith.constant 0 : i32
    %dma_start3A_30 = tpu.memref_slice %arg2[%dma_start3A_28, %dma_start3A_29] : memref<4000x3840xf32, #tpu.memory_space<hbm>> -> memref<4000x3840xf32, #tpu.memory_space<hbm>>
    tpu.enqueue_indirect_dma source(%dma_start3A_30 : memref<4000x3840xf32, #tpu.memory_space<hbm>>) target(%arg6 : memref<16x3840xf32, #tpu.memory_space<vmem>>) offsets(%dma_start3A_27 : memref<16xi32, #tpu.memory_space<vmem>>) semaphore(%arg8 : memref<!tpu.dma_semaphore, #tpu.memory_space<semaphore_mem>>)
    %dma_wait3A_31 = arith.constant 1 : i32
    %dma_wait3A_32 = arith.constant 0 : i32
    %dma_wait3A_33 = tpu.memref_slice %arg5[%dma_wait3A_31, %dma_wait3A_32] : memref<4x16xi32, #tpu.memory_space<vmem>> -> memref<1x16xi32, #tpu.memory_space<vmem>>
    %dma_wait3A_34 = tpu.memref_squeeze %dma_wait3A_33 : memref<1x16xi32, #tpu.memory_space<vmem>> -> memref<16xi32, #tpu.memory_space<vmem>>
    %dma_wait3A_35 = arith.constant 0 : i32
    %dma_wait3A_36 = arith.constant 0 : i32
    %dma_wait3A_37 = tpu.memref_slice %arg2[%dma_wait3A_35, %dma_wait3A_36] : memref<4000x3840xf32, #tpu.memory_space<hbm>> -> memref<4000x3840xf32, #tpu.memory_space<hbm>>
    tpu.wait_indirect_dma semaphore(%arg9 : memref<!tpu.dma_semaphore, #tpu.memory_space<semaphore_mem>>) src(%dma_wait3A_37 : memref<4000x3840xf32, #tpu.memory_space<hbm>>) dst(%arg7 : memref<16x3840xf32, #tpu.memory_space<vmem>>)
    %add3A_38 = arith.constant 16 : i32
    %add3A_39 = arith.addi %mul3A_2, %add3A_38 : i32
    "tpu.region"() ({
      %run_scoped3A = tpu.sem_alloc : memref<!tpu.dma_semaphore, #tpu.memory_space<semaphore_mem>>
      %dma_start3A_65 = arith.constant 0 : i32
      %dma_start3A_66 = tpu.memref_slice %arg4[%add3A_39, %dma_start3A_65] : memref<2048x3840xf32, #tpu.memory_space<hbm>> -> memref<16x3840xf32, #tpu.memory_space<hbm>>
      %dma_start3A_67 = arith.constant 0 : i32
      %dma_start3A_68 = tpu.memref_slice %arg4[%add3A_39, %dma_start3A_67] : memref<2048x3840xf32, #tpu.memory_space<hbm>> -> memref<16x3840xf32, #tpu.memory_space<hbm>>
      tpu.enqueue_dma source(%arg7 : memref<16x3840xf32, #tpu.memory_space<vmem>>) target(%dma_start3A_68 : memref<16x3840xf32, #tpu.memory_space<hbm>>) target_semaphore(%run_scoped3A : memref<!tpu.dma_semaphore, #tpu.memory_space<semaphore_mem>>)
      %dma_wait3A_69 = arith.constant 0 : i32
      %dma_wait3A_70 = tpu.memref_slice %arg4[%add3A_39, %dma_wait3A_69] : memref<2048x3840xf32, #tpu.memory_space<hbm>> -> memref<16x3840xf32, #tpu.memory_space<hbm>>
      %dma_wait3A_71 = arith.constant 0 : i32
      %dma_wait3A_72 = tpu.memref_slice %arg4[%add3A_39, %dma_wait3A_71] : memref<2048x3840xf32, #tpu.memory_space<hbm>> -> memref<16x3840xf32, #tpu.memory_space<hbm>>
      tpu.wait_dma2 semaphore(%run_scoped3A : memref<!tpu.dma_semaphore, #tpu.memory_space<semaphore_mem>>) src(%arg7 : memref<16x3840xf32, #tpu.memory_space<vmem>>) dst(%dma_wait3A_72 : memref<16x3840xf32, #tpu.memory_space<hbm>>)
      tpu.yield
    }) : () -> ()
    %dma_start3A_40 = arith.constant 3 : i32
    %dma_start3A_41 = arith.constant 0 : i32
    %dma_start3A_42 = tpu.memref_slice %arg5[%dma_start3A_40, %dma_start3A_41] : memref<4x16xi32, #tpu.memory_space<vmem>> -> memref<1x16xi32, #tpu.memory_space<vmem>>
    %dma_start3A_43 = tpu.memref_squeeze %dma_start3A_42 : memref<1x16xi32, #tpu.memory_space<vmem>> -> memref<16xi32, #tpu.memory_space<vmem>>
    %dma_start3A_44 = arith.constant 0 : i32
    %dma_start3A_45 = arith.constant 0 : i32
    %dma_start3A_46 = tpu.memref_slice %arg2[%dma_start3A_44, %dma_start3A_45] : memref<4000x3840xf32, #tpu.memory_space<hbm>> -> memref<4000x3840xf32, #tpu.memory_space<hbm>>
    tpu.enqueue_indirect_dma source(%dma_start3A_46 : memref<4000x3840xf32, #tpu.memory_space<hbm>>) target(%arg7 : memref<16x3840xf32, #tpu.memory_space<vmem>>) offsets(%dma_start3A_43 : memref<16xi32, #tpu.memory_space<vmem>>) semaphore(%arg9 : memref<!tpu.dma_semaphore, #tpu.memory_space<semaphore_mem>>)
    %dma_wait3A_47 = arith.constant 2 : i32
    %dma_wait3A_48 = arith.constant 0 : i32
    %dma_wait3A_49 = tpu.memref_slice %arg5[%dma_wait3A_47, %dma_wait3A_48] : memref<4x16xi32, #tpu.memory_space<vmem>> -> memref<1x16xi32, #tpu.memory_space<vmem>>
    %dma_wait3A_50 = tpu.memref_squeeze %dma_wait3A_49 : memref<1x16xi32, #tpu.memory_space<vmem>> -> memref<16xi32, #tpu.memory_space<vmem>>
    %dma_wait3A_51 = arith.constant 0 : i32
    %dma_wait3A_52 = arith.constant 0 : i32
    %dma_wait3A_53 = tpu.memref_slice %arg2[%dma_wait3A_51, %dma_wait3A_52] : memref<4000x3840xf32, #tpu.memory_space<hbm>> -> memref<4000x3840xf32, #tpu.memory_space<hbm>>
    tpu.wait_indirect_dma semaphore(%arg8 : memref<!tpu.dma_semaphore, #tpu.memory_space<semaphore_mem>>) src(%dma_wait3A_53 : memref<4000x3840xf32, #tpu.memory_space<hbm>>) dst(%arg6 : memref<16x3840xf32, #tpu.memory_space<vmem>>)
    %add3A_54 = arith.constant 32 : i32
    %add3A_55 = arith.addi %mul3A_2, %add3A_54 : i32
    "tpu.region"() ({
      %run_scoped3A = tpu.sem_alloc : memref<!tpu.dma_semaphore, #tpu.memory_space<semaphore_mem>>
      %dma_start3A_65 = arith.constant 0 : i32
      %dma_start3A_66 = tpu.memref_slice %arg4[%add3A_55, %dma_start3A_65] : memref<2048x3840xf32, #tpu.memory_space<hbm>> -> memref<16x3840xf32, #tpu.memory_space<hbm>>
      %dma_start3A_67 = arith.constant 0 : i32
      %dma_start3A_68 = tpu.memref_slice %arg4[%add3A_55, %dma_start3A_67] : memref<2048x3840xf32, #tpu.memory_space<hbm>> -> memref<16x3840xf32, #tpu.memory_space<hbm>>
      tpu.enqueue_dma source(%arg6 : memref<16x3840xf32, #tpu.memory_space<vmem>>) target(%dma_start3A_68 : memref<16x3840xf32, #tpu.memory_space<hbm>>) target_semaphore(%run_scoped3A : memref<!tpu.dma_semaphore, #tpu.memory_space<semaphore_mem>>)
      %dma_wait3A_69 = arith.constant 0 : i32
      %dma_wait3A_70 = tpu.memref_slice %arg4[%add3A_55, %dma_wait3A_69] : memref<2048x3840xf32, #tpu.memory_space<hbm>> -> memref<16x3840xf32, #tpu.memory_space<hbm>>
      %dma_wait3A_71 = arith.constant 0 : i32
      %dma_wait3A_72 = tpu.memref_slice %arg4[%add3A_55, %dma_wait3A_71] : memref<2048x3840xf32, #tpu.memory_space<hbm>> -> memref<16x3840xf32, #tpu.memory_space<hbm>>
      tpu.wait_dma2 semaphore(%run_scoped3A : memref<!tpu.dma_semaphore, #tpu.memory_space<semaphore_mem>>) src(%arg6 : memref<16x3840xf32, #tpu.memory_space<vmem>>) dst(%dma_wait3A_72 : memref<16x3840xf32, #tpu.memory_space<hbm>>)
      tpu.yield
    }) : () -> ()
    %dma_wait3A_56 = arith.constant 3 : i32
    %dma_wait3A_57 = arith.constant 0 : i32
    %dma_wait3A_58 = tpu.memref_slice %arg5[%dma_wait3A_56, %dma_wait3A_57] : memref<4x16xi32, #tpu.memory_space<vmem>> -> memref<1x16xi32, #tpu.memory_space<vmem>>
    %dma_wait3A_59 = tpu.memref_squeeze %dma_wait3A_58 : memref<1x16xi32, #tpu.memory_space<vmem>> -> memref<16xi32, #tpu.memory_space<vmem>>
    %dma_wait3A_60 = arith.constant 0 : i32
    %dma_wait3A_61 = arith.constant 0 : i32
    %dma_wait3A_62 = tpu.memref_slice %arg2[%dma_wait3A_60, %dma_wait3A_61] : memref<4000x3840xf32, #tpu.memory_space<hbm>> -> memref<4000x3840xf32, #tpu.memory_space<hbm>>
    tpu.wait_indirect_dma semaphore(%arg9 : memref<!tpu.dma_semaphore, #tpu.memory_space<semaphore_mem>>) src(%dma_wait3A_62 : memref<4000x3840xf32, #tpu.memory_space<hbm>>) dst(%arg7 : memref<16x3840xf32, #tpu.memory_space<vmem>>)
    %add3A_63 = arith.constant 48 : i32
    %add3A_64 = arith.addi %mul3A_2, %add3A_63 : i32
    "tpu.region"() ({
      %run_scoped3A = tpu.sem_alloc : memref<!tpu.dma_semaphore, #tpu.memory_space<semaphore_mem>>
      %dma_start3A_65 = arith.constant 0 : i32
      %dma_start3A_66 = tpu.memref_slice %arg4[%add3A_64, %dma_start3A_65] : memref<2048x3840xf32, #tpu.memory_space<hbm>> -> memref<16x3840xf32, #tpu.memory_space<hbm>>
      %dma_start3A_67 = arith.constant 0 : i32
      %dma_start3A_68 = tpu.memref_slice %arg4[%add3A_64, %dma_start3A_67] : memref<2048x3840xf32, #tpu.memory_space<hbm>> -> memref<16x3840xf32, #tpu.memory_space<hbm>>
      tpu.enqueue_dma source(%arg7 : memref<16x3840xf32, #tpu.memory_space<vmem>>) target(%dma_start3A_68 : memref<16x3840xf32, #tpu.memory_space<hbm>>) target_semaphore(%run_scoped3A : memref<!tpu.dma_semaphore, #tpu.memory_space<semaphore_mem>>)
      %dma_wait3A_69 = arith.constant 0 : i32
      %dma_wait3A_70 = tpu.memref_slice %arg4[%add3A_64, %dma_wait3A_69] : memref<2048x3840xf32, #tpu.memory_space<hbm>> -> memref<16x3840xf32, #tpu.memory_space<hbm>>
      %dma_wait3A_71 = arith.constant 0 : i32
      %dma_wait3A_72 = tpu.memref_slice %arg4[%add3A_64, %dma_wait3A_71] : memref<2048x3840xf32, #tpu.memory_space<hbm>> -> memref<16x3840xf32, #tpu.memory_space<hbm>>
      tpu.wait_dma2 semaphore(%run_scoped3A : memref<!tpu.dma_semaphore, #tpu.memory_space<semaphore_mem>>) src(%arg7 : memref<16x3840xf32, #tpu.memory_space<vmem>>) dst(%dma_wait3A_72 : memref<16x3840xf32, #tpu.memory_space<hbm>>)
      tpu.yield
    }) : () -> ()
    return
  }
}

module attributes {stable_mosaic.version = 14 : i64} {
  func.func @_xnorm_body(%arg0: i32, %arg1: memref<8x197x768xf32, #tpu.memory_space<vmem>>, %arg2: memref<8x768xf32, #tpu.memory_space<vmem>>) attributes {dimension_semantics = [#tpu.dimension_semantics<arbitrary>], iteration_bounds = array<i64: 16>, scalar_prefetch = 0 : i64, scratch_operands = 0 : i64, tpu.core_type = #tpu.core_type<tc>, window_params = [{transform_indices = @transform_0, window_bounds = array<i64: 8, 197, 768>}, {transform_indices = @transform_1, window_bounds = array<i64: 8, 768>}]} {
    %get3A = arith.constant 0 : index
    %get3A_0 = arith.constant 0 : index
    %get3A_1 = arith.constant 0 : index
    %get3A_2 = vector.load %arg1[%get3A, %get3A_0, %get3A_1] : memref<8x197x768xf32, #tpu.memory_space<vmem>>, vector<8x197x768xf32>
    %reduce_sum3A = arith.constant dense<0.000000e+00> : vector<8x768xf32>
    %reduce_sum3A_3 = vector.multi_reduction <add>, %get3A_2, %reduce_sum3A [1] : vector<8x197x768xf32> to vector<8x768xf32>
    %div3A = arith.constant 1.970000e+02 : f32
    %div3A_4 = vector.broadcast %div3A : f32 to vector<8x768xf32>
    %div3A_5 = arith.divf %reduce_sum3A_3, %div3A_4 : vector<8x768xf32>
    %mul3A = arith.mulf %div3A_5, %div3A_5 : vector<8x768xf32>
    %reduce_sum3A_6 = arith.constant dense<0.000000e+00> : vector<8xf32>
    %reduce_sum3A_7 = vector.multi_reduction <add>, %mul3A, %reduce_sum3A_6 [1] : vector<8x768xf32> to vector<8xf32>
    %broadcast_in_dim3A = vector.shape_cast %reduce_sum3A_7 : vector<8xf32> to vector<8x1xf32>
    %max3A = arith.constant 9.99999996E-13 : f32
    %max3A_8 = vector.broadcast %max3A : f32 to vector<8x1xf32>
    %max3A_9 = arith.maximumf %broadcast_in_dim3A, %max3A_8 : vector<8x1xf32>
    %rsqrt3A = math.rsqrt %max3A_9 : vector<8x1xf32>
    %mul3A_10 = vector.broadcast %rsqrt3A : vector<8x1xf32> to vector<8x768xf32>
    %mul3A_11 = arith.mulf %div3A_5, %mul3A_10 : vector<8x768xf32>
    %swap3A = arith.constant 0 : index
    %swap3A_12 = arith.constant 0 : index
    %swap3A_13 = vector.load %arg2[%swap3A, %swap3A_12] : memref<8x768xf32, #tpu.memory_space<vmem>>, vector<8x768xf32>
    tpu.vector_store %arg2[%swap3A, %swap3A_12], %mul3A_11 {strides = array<i32>} : memref<8x768xf32, #tpu.memory_space<vmem>>, vector<8x768xf32>,
    return
  }
  func.func @transform_0(%arg0: i32) -> (i32, i32, i32) {
    %c0_i32 = arith.constant 0 : i32
    %c0_i32_0 = arith.constant 0 : i32
    %c0_i32_1 = arith.constant 0 : i32
    return %arg0, %c0_i32, %c0_i32_0 : i32, i32, i32
  }
  func.func @transform_1(%arg0: i32) -> (i32, i32) {
    %c0_i32 = arith.constant 0 : i32
    %c0_i32_0 = arith.constant 0 : i32
    return %arg0, %c0_i32 : i32, i32
  }
}

module attributes {stable_mosaic.version = 14 : i64} {
  func.func @_topk_body(%arg0: memref<128x768xf32, #tpu.memory_space<vmem>>, %arg1: memref<1000x768xf32, #tpu.memory_space<vmem>>, %arg2: memref<128x4xi32, #tpu.memory_space<vmem>>, %arg3: memref<1x1xf32, #tpu.memory_space<vmem>>) attributes {dimension_semantics = [], scalar_prefetch = 0 : i64, scratch_operands = 0 : i64, tpu.core_type = #tpu.core_type<tc>} {
    %get3A = arith.constant 0 : index
    %get3A_0 = arith.constant 0 : index
    %get3A_1 = vector.load %arg0[%get3A, %get3A_0] : memref<128x768xf32, #tpu.memory_space<vmem>>, vector<128x768xf32>
    %get3A_2 = arith.constant 0 : index
    %get3A_3 = arith.constant 0 : index
    %get3A_4 = vector.load %arg1[%get3A_2, %get3A_3] : memref<1000x768xf32, #tpu.memory_space<vmem>>, vector<1000x768xf32>
    %mul3A = arith.mulf %get3A_4, %get3A_4 : vector<1000x768xf32>
    %reduce_sum3A = arith.constant dense<0.000000e+00> : vector<1000xf32>
    %reduce_sum3A_5 = vector.multi_reduction <add>, %mul3A, %reduce_sum3A [1] : vector<1000x768xf32> to vector<1000xf32>
    %broadcast_in_dim3A = vector.shape_cast %reduce_sum3A_5 : vector<1000xf32> to vector<1000x1xf32>
    %max3A = arith.constant 9.99999996E-13 : f32
    %max3A_6 = vector.broadcast %max3A : f32 to vector<1000x1xf32>
    %max3A_7 = arith.maximumf %broadcast_in_dim3A, %max3A_6 : vector<1000x1xf32>
    %rsqrt3A = math.rsqrt %max3A_7 : vector<1000x1xf32>
    %mul3A_8 = vector.broadcast %rsqrt3A : vector<1000x1xf32> to vector<1000x768xf32>
    %mul3A_9 = arith.mulf %get3A_4, %mul3A_8 : vector<1000x768xf32>
    %dot_general3A = arith.constant dense<0.000000e+00> : vector<128x1000xf32>
    %dot_general3A_10 = tpu.matmul %get3A_1, %mul3A_9, %dot_general3A {dimension_numbers = #tpu.dot_dimension_numbers<[1], [1], [0], [0], [0, 0, 1, 0], [], []>, transpose_lhs_hint = false} : vector<128x768xf32>, vector<1000x768xf32>, vector<128x1000xf32> -> vector<128x1000xf32>
    %iota3A = tpu.iota {dimensions = array<i32: 1>} : vector<128x1000xi32>
    %reduce_max3A = arith.constant dense<0xFF800000> : vector<128xf32>
    %reduce_max3A_11 = vector.multi_reduction <maximumf>, %dot_general3A_10, %reduce_max3A [1] : vector<128x1000xf32> to vector<128xf32>
    %broadcast_in_dim3A_12 = vector.shape_cast %reduce_max3A_11 : vector<128xf32> to vector<128x1xf32>
    %eq3A = vector.broadcast %broadcast_in_dim3A_12 : vector<128x1xf32> to vector<128x1000xf32>
    %eq3A_13 = arith.cmpf oeq, %dot_general3A_10, %eq3A : vector<128x1000xf32>
    %jit3A = arith.constant 1073741824 : i32
    %broadcast_in_dim3A_14 = vector.broadcast %jit3A : i32 to vector<128x1000xi32>
    %select_n3A = arith.select %eq3A_13, %iota3A, %broadcast_in_dim3A_14 : vector<128x1000xi1>, vector<128x1000xi32>
    %reduce_min3A = arith.constant dense<2147483647> : vector<128xi32>
    %reduce_min3A_15 = vector.multi_reduction <minsi>, %select_n3A, %reduce_min3A [1] : vector<128x1000xi32> to vector<128xi32>
    %broadcast_in_dim3A_16 = vector.shape_cast %reduce_min3A_15 : vector<128xi32> to vector<128x1xi32>
    %reduce_sum3A_17 = vector.shape_cast %broadcast_in_dim3A_12 : vector<128x1xf32> to vector<1x128x1xf32>
    %reduce_sum3A_18 = arith.constant dense<0.000000e+00> : vector<1xf32>
    %reduce_sum3A_19 = vector.multi_reduction <add>, %reduce_sum3A_17, %reduce_sum3A_18 [1, 2] : vector<1x128x1xf32> to vector<1xf32>
    %reduce_sum3A_20 = vector.shape_cast %reduce_sum3A_19 : vector<1xf32> to vector<1x1x1xf32>
    %reduce_sum3A_21 = vector.extract %reduce_sum3A_20[0, 0, 0] : f32 from vector<1x1x1xf32>
    %add3A = arith.constant 0.000000e+00 : f32
    %add3A_22 = arith.addf %add3A, %reduce_sum3A_21 : f32
    %eq3A_23 = vector.broadcast %broadcast_in_dim3A_16 : vector<128x1xi32> to vector<128x1000xi32>
    %eq3A_24 = arith.cmpi eq, %iota3A, %eq3A_23 : vector<128x1000xi32>
    %jit3A_25 = arith.constant 0xFF800000 : f32
    %broadcast_in_dim3A_26 = vector.broadcast %jit3A_25 : f32 to vector<128x1000xf32>
    %select_n3A_27 = arith.select %eq3A_24, %broadcast_in_dim3A_26, %dot_general3A_10 : vector<128x1000xi1>, vector<128x1000xf32>
    %reduce_max3A_28 = arith.constant dense<0xFF800000> : vector<128xf32>
    %reduce_max3A_29 = vector.multi_reduction <maximumf>, %select_n3A_27, %reduce_max3A_28 [1] : vector<128x1000xf32> to vector<128xf32>
    %broadcast_in_dim3A_30 = vector.shape_cast %reduce_max3A_29 : vector<128xf32> to vector<128x1xf32>
    %eq3A_31 = vector.broadcast %broadcast_in_dim3A_30 : vector<128x1xf32> to vector<128x1000xf32>
    %eq3A_32 = arith.cmpf oeq, %select_n3A_27, %eq3A_31 : vector<128x1000xf32>
    %jit3A_33 = arith.constant 1073741824 : i32
    %broadcast_in_dim3A_34 = vector.broadcast %jit3A_33 : i32 to vector<128x1000xi32>
    %select_n3A_35 = arith.select %eq3A_32, %iota3A, %broadcast_in_dim3A_34 : vector<128x1000xi1>, vector<128x1000xi32>
    %reduce_min3A_36 = arith.constant dense<2147483647> : vector<128xi32>
    %reduce_min3A_37 = vector.multi_reduction <minsi>, %select_n3A_35, %reduce_min3A_36 [1] : vector<128x1000xi32> to vector<128xi32>
    %broadcast_in_dim3A_38 = vector.shape_cast %reduce_min3A_37 : vector<128xi32> to vector<128x1xi32>
    %reduce_sum3A_39 = vector.shape_cast %broadcast_in_dim3A_30 : vector<128x1xf32> to vector<1x128x1xf32>
    %reduce_sum3A_40 = arith.constant dense<0.000000e+00> : vector<1xf32>
    %reduce_sum3A_41 = vector.multi_reduction <add>, %reduce_sum3A_39, %reduce_sum3A_40 [1, 2] : vector<1x128x1xf32> to vector<1xf32>
    %reduce_sum3A_42 = vector.shape_cast %reduce_sum3A_41 : vector<1xf32> to vector<1x1x1xf32>
    %reduce_sum3A_43 = vector.extract %reduce_sum3A_42[0, 0, 0] : f32 from vector<1x1x1xf32>
    %add3A_44 = arith.addf %add3A_22, %reduce_sum3A_43 : f32
    %eq3A_45 = vector.broadcast %broadcast_in_dim3A_38 : vector<128x1xi32> to vector<128x1000xi32>
    %eq3A_46 = arith.cmpi eq, %iota3A, %eq3A_45 : vector<128x1000xi32>
    %jit3A_47 = arith.constant 0xFF800000 : f32
    %broadcast_in_dim3A_48 = vector.broadcast %jit3A_47 : f32 to vector<128x1000xf32>
    %select_n3A_49 = arith.select %eq3A_46, %broadcast_in_dim3A_48, %select_n3A_27 : vector<128x1000xi1>, vector<128x1000xf32>
    %reduce_max3A_50 = arith.constant dense<0xFF800000> : vector<128xf32>
    %reduce_max3A_51 = vector.multi_reduction <maximumf>, %select_n3A_49, %reduce_max3A_50 [1] : vector<128x1000xf32> to vector<128xf32>
    %broadcast_in_dim3A_52 = vector.shape_cast %reduce_max3A_51 : vector<128xf32> to vector<128x1xf32>
    %eq3A_53 = vector.broadcast %broadcast_in_dim3A_52 : vector<128x1xf32> to vector<128x1000xf32>
    %eq3A_54 = arith.cmpf oeq, %select_n3A_49, %eq3A_53 : vector<128x1000xf32>
    %jit3A_55 = arith.constant 1073741824 : i32
    %broadcast_in_dim3A_56 = vector.broadcast %jit3A_55 : i32 to vector<128x1000xi32>
    %select_n3A_57 = arith.select %eq3A_54, %iota3A, %broadcast_in_dim3A_56 : vector<128x1000xi1>, vector<128x1000xi32>
    %reduce_min3A_58 = arith.constant dense<2147483647> : vector<128xi32>
    %reduce_min3A_59 = vector.multi_reduction <minsi>, %select_n3A_57, %reduce_min3A_58 [1] : vector<128x1000xi32> to vector<128xi32>
    %broadcast_in_dim3A_60 = vector.shape_cast %reduce_min3A_59 : vector<128xi32> to vector<128x1xi32>
    %reduce_sum3A_61 = vector.shape_cast %broadcast_in_dim3A_52 : vector<128x1xf32> to vector<1x128x1xf32>
    %reduce_sum3A_62 = arith.constant dense<0.000000e+00> : vector<1xf32>
    %reduce_sum3A_63 = vector.multi_reduction <add>, %reduce_sum3A_61, %reduce_sum3A_62 [1, 2] : vector<1x128x1xf32> to vector<1xf32>
    %reduce_sum3A_64 = vector.shape_cast %reduce_sum3A_63 : vector<1xf32> to vector<1x1x1xf32>
    %reduce_sum3A_65 = vector.extract %reduce_sum3A_64[0, 0, 0] : f32 from vector<1x1x1xf32>
    %add3A_66 = arith.addf %add3A_44, %reduce_sum3A_65 : f32
    %eq3A_67 = vector.broadcast %broadcast_in_dim3A_60 : vector<128x1xi32> to vector<128x1000xi32>
    %eq3A_68 = arith.cmpi eq, %iota3A, %eq3A_67 : vector<128x1000xi32>
    %jit3A_69 = arith.constant 0xFF800000 : f32
    %broadcast_in_dim3A_70 = vector.broadcast %jit3A_69 : f32 to vector<128x1000xf32>
    %select_n3A_71 = arith.select %eq3A_68, %broadcast_in_dim3A_70, %select_n3A_49 : vector<128x1000xi1>, vector<128x1000xf32>
    %reduce_max3A_72 = arith.constant dense<0xFF800000> : vector<128xf32>
    %reduce_max3A_73 = vector.multi_reduction <maximumf>, %select_n3A_71, %reduce_max3A_72 [1] : vector<128x1000xf32> to vector<128xf32>
    %broadcast_in_dim3A_74 = vector.shape_cast %reduce_max3A_73 : vector<128xf32> to vector<128x1xf32>
    %eq3A_75 = vector.broadcast %broadcast_in_dim3A_74 : vector<128x1xf32> to vector<128x1000xf32>
    %eq3A_76 = arith.cmpf oeq, %select_n3A_71, %eq3A_75 : vector<128x1000xf32>
    %jit3A_77 = arith.constant 1073741824 : i32
    %broadcast_in_dim3A_78 = vector.broadcast %jit3A_77 : i32 to vector<128x1000xi32>
    %select_n3A_79 = arith.select %eq3A_76, %iota3A, %broadcast_in_dim3A_78 : vector<128x1000xi1>, vector<128x1000xi32>
    %reduce_min3A_80 = arith.constant dense<2147483647> : vector<128xi32>
    %reduce_min3A_81 = vector.multi_reduction <minsi>, %select_n3A_79, %reduce_min3A_80 [1] : vector<128x1000xi32> to vector<128xi32>
    %broadcast_in_dim3A_82 = vector.shape_cast %reduce_min3A_81 : vector<128xi32> to vector<128x1xi32>
    %reduce_sum3A_83 = vector.shape_cast %broadcast_in_dim3A_74 : vector<128x1xf32> to vector<1x128x1xf32>
    %reduce_sum3A_84 = arith.constant dense<0.000000e+00> : vector<1xf32>
    %reduce_sum3A_85 = vector.multi_reduction <add>, %reduce_sum3A_83, %reduce_sum3A_84 [1, 2] : vector<1x128x1xf32> to vector<1xf32>
    %reduce_sum3A_86 = vector.shape_cast %reduce_sum3A_85 : vector<1xf32> to vector<1x1x1xf32>
    %reduce_sum3A_87 = vector.extract %reduce_sum3A_86[0, 0, 0] : f32 from vector<1x1x1xf32>
    %add3A_88 = arith.addf %add3A_66, %reduce_sum3A_87 : f32
    %concatenate3A = tpu.concatenate %broadcast_in_dim3A_16, %broadcast_in_dim3A_38, %broadcast_in_dim3A_60, %broadcast_in_dim3A_82 in 1 : vector<128x1xi32>, vector<128x1xi32>, vector<128x1xi32>, vector<128x1xi32> -> vector<128x4xi32>
    %swap3A = arith.constant 0 : index
    %swap3A_89 = arith.constant 0 : index
    %swap3A_90 = vector.load %arg2[%swap3A, %swap3A_89] : memref<128x4xi32, #tpu.memory_space<vmem>>, vector<128x4xi32>
    tpu.vector_store %arg2[%swap3A, %swap3A_89], %concatenate3A {strides = array<i32>} : memref<128x4xi32, #tpu.memory_space<vmem>>, vector<128x4xi32>,
    %div3A = arith.constant 1.280000e+02 : f32
    %div3A_91 = arith.divf %add3A_88, %div3A : f32
    %broadcast_in_dim3A_92 = vector.broadcast %div3A_91 : f32 to vector<1x1xf32>
    %swap3A_93 = arith.constant 0 : index
    %swap3A_94 = arith.constant 0 : index
    %swap3A_95 = vector.load %arg3[%swap3A_93, %swap3A_94] : memref<1x1xf32, #tpu.memory_space<vmem>>, vector<1x1xf32>
    tpu.vector_store %arg3[%swap3A_93, %swap3A_94], %broadcast_in_dim3A_92 {strides = array<i32>} : memref<1x1xf32, #tpu.memory_space<vmem>>, vector<1x1xf32>,
    return
  }
}

</mosaic_0001>

<sc_bundles>
// kernel: kernel.5.cloned.1.call-start
scs
__scs_entry_jumppad:
0x0: {  	(pc) =	sbr.rel $0x88, $3  }
0x1: {  	(tag) =	ssettag $0x0;
	lr =	simm.s32 $0x1  }
0x2: {  	[smem:$0x3F9E] =	sst lr;
	_ =	strace $0xD0000000  }
0x3: {  	_ = 	snop  }
0x4: {  	_ = 	snop  }
0x5: {  	_ = 	snop  }
0x6: {  	_ = 	snop  }
0x7: {  	_ = 	snop  }
__scs_overlays_trampoline_lowered:
0x8: {  	[smem:$0x3FAD] =	sst s0  }
0x9: {  	[smem:$0x3FAE] =	sst s1  }
0xa: {  	[smem:$0x3FAF] =	sst s2  }
0xb: {  	[smem:$0x3FB0] =	sst s3  }
0xc: {  	[smem:$0x3FB1] =	sst s4  }
0xd: {  	[smem:$0x3FB2] =	sst s5  }
0xe: {  	[smem:$0x3FB3] =	sst s6  }
0xf: {  	[smem:$0x3FB4] =	sst s7  }
0x10: {  	[smem:$0x3FB5] =	sst s8  }
0x11: {  	[smem:$0x3FB6] =	sst s9;
	s0 =	simm.s32 @!p0 $0x0  }
0x12: {  	s1 =	sld [smem:$0x3F9C];
	s0 =	simm.s32 @p0 $0x1  }
0x13: {  	[smem:$0x3FB7] =	sst s0;
	s0 =	simm.s32 @!p1 $0x0  }
0x14: {  	s2 =	sld [smem:$0x3F9B];
	s0 =	simm.s32 @p1 $0x1  }
0x15: {  	[smem:$0x3FB8] =	sst s0;
	s0 =	simm.s32 @!p2 $0x0  }
0x16: {  	s3 =	sld [smem:$0x3FDB];
	s0 =	simm.s32 @p2 $0x1  }
0x17: {  	s4 =	simm.s32 $0x1BF5;
	[smem:$0x3FBA] =	sst s0  }
0x18: {  	s0 =	sld [smem:$0x3F9D];
	_ =	swait.ge [sflag:s4], $0x0  }
0x19: {  	s7 =	sld [smem:$0x3F9E]  }
0x1a: {  	s8 =	sadd.s32 $0xFFFFE003, lr  }
0x1b: {  	s9 =	sadd.s32 $0xFFFFFEF7, lr;
	s5 =	simm.s32 $0xFFFFFFFF;
	p2 =	slt.u32 s8, $0xFFFFF086  }
0x1c: {  	p1 =	slt.u32 s9, $0xF7A;
	s5 =	simm.s32 @!p2 $0x0  }
0x1d: {  	s5 =	simm.s32 @p1 $0x1;
	p0 =	seq.s32 s7, s2  }
0x1e: {  	s7 =	smul.u32 @!p0 $0xF7A, s2;
	p2 =	seq.s32 @!p0 s5, $0x0  }
0x1f: {  	s9 =	smul.u32 $0xF7A, s1;
	s8 =	simm.s32 @!p0 $0x1BF5;
	p2 =	por !p2, p0  }
0x20: {  	[sflag:s8] =	ssyncset.s32 @!p0 $0xFFFFF086;
	s6 =	sadd.s32 @!p0 s3, s7;
	s7 =	simm.s32 @!p0 $0x108  }
0x21: {  	s3 =	sadd.s32 s3, s9;
	s6 =	sadd.s32 @!p0 $0x88, s6;
	s7 =	simm.s32 @p2 $0x1082  }
0x22: {  	[simem:s7], [sflag:s8] =	dma.local @!p0 [hbm:s6], $0xF7A  }
0x23: {  	s9 =	sor.u32 $0xD0000000, s2;
	s6 =	simm.s32 $0x108;
	_ =	swait.ge @!p0 [sflag:s8], $0x0  }
0x24: {  	s3 =	sadd.s32 $0x88, s3;
	s6 =	simm.s32 @!p1 $0x1082;
	[sflag:s4] =	ssyncset.s32 $0xFFFFF086  }
0x25: {  	[simem:s6], [sflag:s4] =	dma.local [hbm:s3], $0xF7A  }
0x26: {  	[smem:$0x3F9E] =	sst s1;
	(tag) =	ssettag s2;
	_ =	strace s9  }
0x27: {  	s1 =	sld [smem:$0x3FAE]  }
0x28: {  	s2 =	sld [smem:$0x3FAF]  }
0x29: {  	s4 =	sld [smem:$0x3FB1]  }
0x2a: {  	p0 =	seq.s32 s5, $0x0;
	s5 =	sld [smem:$0x3FB2]  }
0x2b: {  	s6 =	sld [smem:$0x3FB3]  }
0x2c: {  	s7 =	sld [smem:$0x3FB4]  }
0x2d: {  	s3 =	simm.s32 $0x108;
	s8 =	sld [smem:$0x3FB5]  }
0x2e: {  	s3 =	simm.s32 @!p0 $0x1082;
	s9 =	sld [smem:$0x3FB6]  }
0x2f: {  	lr =	sadd.s32 s0, s3;
	s0 =	sld [smem:$0x3FAD]  }
0x30: {  	s3 =	sld [smem:$0x3FB0]  }
0x31: {  	[smem:$0x3FB9] =	sst s10  }
0x32: {  	s10 =	sld [smem:$0x3FB7];
	_ =	sdelay $0x3  }
0x33: {  	p0 =	seq.s32 s10, $0x1;
	s10 =	sld [smem:$0x3FB9];
	_ =	sdelay $0x3  }
0x34: {  	[smem:$0x3FB9] =	sst s10  }
0x35: {  	s10 =	sld [smem:$0x3FB8];
	_ =	sdelay $0x3  }
0x36: {  	p1 =	seq.s32 s10, $0x1;
	s10 =	sld [smem:$0x3FB9];
	_ =	sdelay $0x3  }
0x37: {  	[smem:$0x3FB9] =	sst s10  }
0x38: {  	s10 =	sld [smem:$0x3FBA]  }
0x39: {  	_ = 	snop;
	(pc) =	sbr.ind lr, $3  }
0x3a: {  	_ = 	snop  }
0x3b: {  	_ = 	snop  }
0x3c: {  	p2 =	seq.s32 s10, $0x1;
	s10 =	sld [smem:$0x3FB9]  }
0x3d: {  	_ =	shalt  }
0x3e: {  	_ =	shalt  }
0x3f: {  	_ =	shalt  }
0x40: {  	_ =	shalt  }
0x41: {  	_ =	shalt  }
0x42: {  	_ =	shalt  }
0x43: {  	_ =	shalt  }
0x44: {  	_ =	shalt  }
0x45: {  	_ =	shalt  }
0x46: {  	_ =	shalt  }
0x47: {  	_ =	shalt  }
0x48: {  	_ =	shalt  }
0x49: {  	_ =	shalt  }
0x4a: {  	_ =	shalt  }
0x4b: {  	_ =	shalt  }
0x4c: {  	_ =	shalt  }
0x4d: {  	_ =	shalt  }
0x4e: {  	_ =	shalt  }
0x4f: {  	_ =	shalt  }
0x50: {  	_ =	shalt  }
0x51: {  	_ =	shalt  }
0x52: {  	_ =	shalt  }
0x53: {  	_ =	shalt  }
0x54: {  	_ =	shalt  }
0x55: {  	_ =	shalt  }
0x56: {  	_ =	shalt  }
0x57: {  	_ =	shalt  }
0x58: {  	_ =	shalt  }
0x59: {  	_ =	shalt  }
0x5a: {  	_ =	shalt  }
0x5b: {  	_ =	shalt  }
0x5c: {  	_ =	shalt  }
0x5d: {  	_ =	shalt  }
0x5e: {  	_ =	shalt  }
0x5f: {  	_ =	shalt  }
0x60: {  	_ =	shalt  }
0x61: {  	_ =	shalt  }
0x62: {  	_ =	shalt  }
0x63: {  	_ =	shalt  }
0x64: {  	_ =	shalt  }
0x65: {  	_ =	shalt  }
0x66: {  	_ =	shalt  }
0x67: {  	_ =	shalt  }
0x68: {  	_ =	shalt  }
0x69: {  	_ =	shalt  }
0x6a: {  	_ =	shalt  }
0x6b: {  	_ =	shalt  }
0x6c: {  	_ =	shalt  }
0x6d: {  	_ =	shalt  }
0x6e: {  	_ =	shalt  }
0x6f: {  	_ =	shalt  }
0x70: {  	_ =	shalt  }
0x71: {  	_ =	shalt  }
0x72: {  	_ =	shalt  }
0x73: {  	_ =	shalt  }
0x74: {  	_ =	shalt  }
0x75: {  	_ =	shalt  }
0x76: {  	_ =	shalt  }
0x77: {  	_ =	shalt  }
0x78: {  	_ =	shalt  }
0x79: {  	_ =	shalt  }
0x7a: {  	_ =	shalt  }
0x7b: {  	_ =	shalt  }
0x7c: {  	_ =	shalt  }
0x7d: {  	_ =	shalt  }
0x7e: {  	_ =	shalt  }
0x7f: {  	_ =	shalt  }
0x80: {  	_ =	shalt  }
0x81: {  	_ =	shalt  }
0x82: {  	_ =	shalt  }
0x83: {  	_ =	shalt  }
0x84: {  	_ =	shalt  }
0x85: {  	_ =	shalt  }
0x86: {  	_ =	shalt  }
0x87: {  	_ =	shalt  }
.Lfunc_end0:
.L_simem_size_0:
called_computation_lowered:
.L_overlay_start_0:
0x88: {  	s2 =	sld [smem:$0x3FD9]  }
0x89: {  	s3 =	sld [smem:$0x3FFE];
	_ =	sdelay $0x1  }
0x8a: {  	s1 =	srdreg.scid  }
0x8b: {  	s0 =	sand.u32 $0x1, s1  }
0x8c: {  	s14 =	sshll.u32 s0, $0xA;
	s2 =	sadd.s32 s3, s2  }
0x8d: {  	s2 =	sadd.s32 s2, s14  }
0x8e: {  	[smem:$0x3FC5] =	sst s2  }
0x8f: {  	_ = 	snop  }
0x90: {  	s2 =	sld [smem:$0x3FD0];
	_ =	sdelay $0x2  }
0x91: {  	s15 =	simm.s32 $0xA;
	s4 =	simm.s32 $0x10  }
0x92: {  	[smem:s4], [sflag:s15] =	dma.local [hbm:s2], $0x1  }
0x93: {  	_ =	swait.eq [sflag:s15], $0x1  }
0x94: {  	[sflag:s15] =	ssyncset.done $0x0  }
0x95: {  	[sflag:s15] =	ssyncadd.s32 $0xFFFFFFFF  }
0x96: {  	s16 =	sld [smem:$0x10];
	(tm) =	ssettm $0x1  }
0x97: {  	s17 =	sld [smem:$0x3FFB];
	_ =	sdelay $0x3  }
0x98: {  	_ =	strace s17  }
0x99: {  	s3 =	sld [smem:$0x3FFC];
	_ =	sdelay $0x3  }
0x9a: {  	_ =	strace s3  }
0x9b: {  	s3 =	sld [smem:$0x3FFD];
	_ =	sdelay $0x3  }
0x9c: {  	_ =	strace s3  }
0x9d: {  	_ =	strace $0x8FFFFFFF  }
0x9e: {  	s18 =	sld [smem:$0x3FDB];
	_ =	sdelay $0x1  }
0x9f: {  	s19 =	simm.s32 $_scs_section_size  }
0xa0: {  	s5 =	simm.s32 $_size__tile_overlayer_lowered;
	s6 =	simm.s32 $_tile_overlayer_lowered  }
0xa1: {  	s22 =	simm.s32 $0x1BFF;
	s21 =	sshll.u32 s6, $0x1;
	s3 =	sadd.s32 s19, s18  }
0xa2: {  	s7 =	simm.s32 $0x0;
	s20 =	sshll.u32 s5, $0x1;
	s5 =	sadd.s32 s21, s3  }
0xa3: {  	[timem:s7], [sflag:s22] =	dma.local [hbm:s5], s20  }
0xa4: {  	_ =	swait.ge [sflag:s22], s20  }
0xa5: {  	s4 =	ssub.s32 $0x0, s20;
	[sflag:s22] =	ssyncset.done $0x0  }
0xa6: {  	[sflag:s22] =	ssyncadd.s32 s4;
	_ =	sdelay $0x1  }
0xa7: {  	s23 =	simm.s32 $0x1B8B  }
0xa8: {  	_ =	swait.ge [sflag:s23], $0x1  }
0xa9: {  	[sflag:s23] =	ssyncset.done $0x0  }
0xaa: {  	s25 =	simm.s32 $0x1B8E;
	s24 =	sld [smem:$0x3FFE];
	[sflag:s23] =	ssyncadd.s32 $0xFFFFFFFF  }
0xab: {  	s26 =	simm.s32 $execute0_lowered;
	[smem:$0x3FD2] =	sst s25  }
0xac: {  	s5 =	sshll.u32 s26, $0x1;
	_ =	strace $0x80000046;
	[dreg:$0x1] =	wrdreg $0xFFFFFFFF  }
0xad: {  	s28 =	simm.s32 $_size_execute0_lowered;
	s3 =	sadd.s32 s3, s5;
	[dreg:$0x0] =	wrdreg $0x0  }
0xae: {  	s5 =	sshll.u32 s28, $0x1;
	[dreg:$0x2] =	wrdreg s3  }
0xaf: {  	[dreg:$0x3] =	wrdreg s5  }
0xb0: {  	[dreg:$0x4] =	wrdreg $0xC0  }
0xb1: {  	_ =	task [dreg:s7], $0x5FFFF  }
0xb2: {  	[dreg:$0x1] =	wrdreg $0xFFFFFFFF  }
0xb3: {  	[dreg:$0x0] =	wrdreg $0x60  }
0xb4: {  	[dreg:$0x2] =	wrdreg s24  }
0xb5: {  	[dreg:$0x3] =	wrdreg s16  }
0xb6: {  	[dreg:$0x4] =	wrdreg $0x9  }
0xb7: {  	_ =	task.clear_ibuf [dreg:s7], $0x5FFFF;
	_ =	strace $0x90000046  }
0xb8: {  	s29 =	simm.s32 $0x9;
	_ =	strace $0x80000048  }
0xb9: {  	_ =	swait.ge [sflag:s29], $0x1  }
0xba: {  	[sflag:s29] =	ssyncadd.s32 $0xFFFFFFFF  }
0xbb: {  	_ =	strace $0x90000048  }
0xbc: {  	_ =	sfence  }
0xbd: {  	s30 =	sld [smem:$0x0];
	_ =	sdelay $0x2  }
0xbe: {  	s31 =	sshll.u32 s1, $0xD;
	s1 =	sshrl.u32 s1, $0x2  }
0xbf: {  	s3 =	sand.u32 $0x4000, s31;
	s1 =	sadd.s32 s1, s30  }
0xc0: {  	s0 =	sor.u32 s3, s0;
	s1 =	sshll.u32 s1, $0x11  }
0xc1: {  	s0 =	sor.u32 s1, s0  }
0xc2: {  	s0 =	sadd.s32 $0x8F2B, s0  }
0xc3: {  	[sflag:s0] =	ssyncadd.remote.s32 $0x1  }
0xc4: {  	_ =	sfence.sel $0xFFFF  }
0xc5: {  	[dreg:$0x0] =	wrdreg $0xFFFFFFFF;
	(pc) =	sbr.abs _section_cstart, $3  }
0xc6: {  	[dreg:$0x1] =	wrdreg $0xFFFFFFFF  }
0xc7: {  	_ =	task.clear_ibuf [dreg:s7], $0x2FFFF;
	_ =	strace $0x9FFFFFFF  }
0xc8: {  	(tm) =	ssettm $0x7FFFFFFF  }
0xc9: {  	_ =	shalt  }
tec
execute0_lowered:
.L_overlay_start_1:
0x0: {  	(tag) =	ssettag $0x1  }
0x1: {  	s0 =	srdreg.scid;
	s1 =	rddreg [dreg:$0x0]  }
0x2: {  	s2 =	stileid.u32;
	s14 =	rddreg [dreg:$0x1];
	s19 =	simm.s32 $0x3  }
0x3: {  	s20 =	simm.s32 $0x2;
	s25 =	simm.s32 $0xA00;
	s28 =	simm.s32 $0x1200  }
0x4: {  	s29 =	simm.s32 $0x1A00;
	s30 =	simm.s32 $0x2200;
	s31 =	simm.s32 $0x2A00  }
0x5: {  	s21 =	simm.s32 $0x4200;
	s22 =	simm.s32 $0x5200;
	s23 =	simm.s32 $0x1  }
0x6: {  	s0 =	sand.u32 $0x1, s0;
	s2 =	sshll.u32 s2, $0x1;
	s6 =	sadd.s32 $0x1300, s1  }
0x7: {  	s7 =	sadd.s32 $0x1400, s1;
	s8 =	sadd.s32 $0x1500, s1;
	s9 =	sadd.s32 $0x1600, s1  }
0x8: {  	s10 =	sadd.s32 $0x1700, s1;
	s12 =	sadd.s32 $0x1900, s1;
	s11 =	sor.u32 s0, s2  }
0x9: {  	s2 =	simm.s32 $0x0;
	s0 =	ssub.s32 $0x2, s0;
	s3 =	sshll.u32 s11, $0x6  }
0xa: {  	[smem:$0x7FF] =	sst s2;
	s4 =	sshrl.u32 s0, $0x1;
	s13 =	smul.u32 $0x3C000, s11  }
0xb: {  	s15 =	smul.u32 $0x7800, s11;
	s11 =	sadd.s32 $0x1800, s1;
	s3 =	sadd.s32 s3, s1  }
0xc: {  	_ =	strace $0x80000047;
	s0 =	ssub.s32 s0, s4;
	s4 =	sadd.s32 $0x1100, s1  }
0xd: {  	s5 =	sadd.s32 $0x800, s3;
	s3 =	sadd.s32 $0x1000, s1;
	s16 =	sshrl.u32 s13, $0x3  }
0xe: {  	s13 =	sadd.s32 $0x1A00, s1;
	s15 =	sadd.s32 s14, s15;
	[dreg:$0x3] =	wrdreg s5  }
0xf: {  	s5 =	sadd.s32 $0x1200, s1;
	s17 =	sadd.s32 s14, s16;
	s14 =	sadd.s32 $0x1B00, s1  }
0x10: {  	[dreg:$0x4] =	wrdreg s15;
	s15 =	sadd.s32 $0x1C00, s1;
	s16 =	sadd.s32 $0x1E00, s17  }
0x11: {  	v2 =	vlaneseq.u32;
	s18 =	sadd.s32 $0x3C00, s17;
	s26 =	sadd.s32 $0x5A00, s17;
	[dreg:$0x5] =	wrdreg s16  }
0x12: {  	vm0 =	vmmov $0xffff;
	v1 =	vshrl.u32 v2, $0x3;
	s17 =	sadd.s32 $0x1E00, s1;
	s16 =	sadd.s32 $0x1D00, s1;
	[dreg:$0x6] =	wrdreg s18  }
0x13: {  	v0 =	vand.u32 $0x7, v2;
	v2 =	vor.u32 $0x8, v2;
	v1 =	vmul.u32 $0x8, v1;
	[dreg:$0x7] =	wrdreg s26;
	s18 =	smax.u32 s0, $0x1;
	s26 =	simm.s32 $0x5A00  }
.LBB2_1:
0x14: {  	s24 =	rddreg [dreg:$0x3]  }
0x15: {  	[tilespmem:s2], [sflag:$0x3] =	stream.linear.gather [hbm4b:s24+s2], $0x200, $0x38;
	[tilespmem:$0x1E200] =	vst v63  }
0x16: {  	_ =	swait.ge [sflag:s19], $0x200  }
0x17: {  	[sflag:s19] =	ssyncset.done $0x0  }
0x18: {  	[sflag:s19] =	ssyncadd.s32 $0xFFFFFE00  }
0x19: {  	v3 =	vld [tilespmem:$0x0];
	_ =	sdelay $0x4  }
0x1a: {  	v4 =	vshrl.u32 v3, $0x3  }
0x1b: {  	v4 =	vmul.u32 $0xF0, v4  }
0x1c: {  	v3 =	vand.u32 $0x7, v3  }
0x1d: {  	v3 =	vor.u32 v3, v4  }
0x1e: {  	v4 =	vperm.xlane v3, v0;
	_ =	sdelay $0x1  }
0x1f: {  	v4 =	vadd.s32 v1, v4;
	_ =	sdelay $0x3  }
0x20: {  	s0 =	simm.s32 $0x200  }
0x21: {  	[tilespmem:s0], [sflag:$0x1] =	stream.indirect_vreg.gather [hbm4b:s3+s2], $0x80, v4, vm0, $0xb8;
	[tilespmem:$0x1E200] =	vst v63  }
0x22: {  	_ = 	snop  }
0x23: {  	[tilespmem:s25], [sflag:$0x1] =	stream.indirect_vreg.gather [hbm4b:s4+s2], $0x80, v4, vm0, $0xb8;
	[tilespmem:$0x1E200] =	vst v63  }
0x24: {  	_ = 	snop  }
0x25: {  	[tilespmem:s28], [sflag:$0x1] =	stream.indirect_vreg.gather [hbm4b:s5+s2], $0x80, v4, vm0, $0xb8;
	[tilespmem:$0x1E200] =	vst v63  }
0x26: {  	_ = 	snop  }
0x27: {  	[tilespmem:s29], [sflag:$0x1] =	stream.indirect_vreg.gather [hbm4b:s6+s2], $0x80, v4, vm0, $0xb8;
	[tilespmem:$0x1E200] =	vst v63  }
0x28: {  	_ = 	snop  }
0x29: {  	[tilespmem:s30], [sflag:$0x1] =	stream.indirect_vreg.gather [hbm4b:s7+s2], $0x80, v4, vm0, $0xb8;
	[tilespmem:$0x1E200] =	vst v63  }
0x2a: {  	_ = 	snop  }
0x2b: {  	[tilespmem:s31], [sflag:$0x1] =	stream.indirect_vreg.gather [hbm4b:s8+s2], $0x80, v4, vm0, $0xb8;
	[tilespmem:$0x1E200] =	vst v63  }
0x2c: {  	s1 =	simm.s32 $0x3200  }
0x2d: {  	[tilespmem:s1], [sflag:$0x1] =	stream.indirect_vreg.gather [hbm4b:s9+s2], $0x80, v4, vm0, $0xb8;
	[tilespmem:$0x1E200] =	vst v63  }
0x2e: {  	s24 =	simm.s32 $0x3A00  }
0x2f: {  	[tilespmem:s24], [sflag:$0x1] =	stream.indirect_vreg.gather [hbm4b:s10+s2], $0x80, v4, vm0, $0xb8;
	[tilespmem:$0x1E200] =	vst v63  }
0x30: {  	_ = 	snop  }
0x31: {  	[tilespmem:s21], [sflag:$0x1] =	stream.indirect_vreg.gather [hbm4b:s11+s2], $0x80, v4, vm0, $0xb8;
	[tilespmem:$0x1E200] =	vst v63  }
0x32: {  	s1 =	simm.s32 $0x4A00  }
0x33: {  	[tilespmem:s1], [sflag:$0x1] =	stream.indirect_vreg.gather [hbm4b:s12+s2], $0x80, v4, vm0, $0xb8;
	[tilespmem:$0x1E200] =	vst v63  }
0x34: {  	_ = 	snop  }
0x35: {  	[tilespmem:s22], [sflag:$0x1] =	stream.indirect_vreg.gather [hbm4b:s13+s2], $0x80, v4, vm0, $0xb8;
	[tilespmem:$0x1E200] =	vst v63  }
0x36: {  	_ = 	snop  }
0x37: {  	[tilespmem:s26], [sflag:$0x1] =	stream.indirect_vreg.gather [hbm4b:s14+s2], $0x80, v4, vm0, $0xb8;
	[tilespmem:$0x1E200] =	vst v63  }
0x38: {  	v3 =	vperm.xlane v3, v2;
	s24 =	simm.s32 $0x6200  }
0x39: {  	[tilespmem:s24], [sflag:$0x1] =	stream.indirect_vreg.gather [hbm4b:s15+s2], $0x80, v4, vm0, $0xb8;
	[tilespmem:$0x1E200] =	vst v63  }
0x3a: {  	v3 =	vadd.s32 v1, v3;
	s1 =	simm.s32 $0x6A00  }
0x3b: {  	[tilespmem:s1], [sflag:$0x1] =	stream.indirect_vreg.gather [hbm4b:s16+s2], $0x80, v4, vm0, $0xb8;
	[tilespmem:$0x1E200] =	vst v63  }
0x3c: {  	s24 =	simm.s32 $0x7200  }
0x3d: {  	[tilespmem:s24], [sflag:$0x1] =	stream.indirect_vreg.gather [hbm4b:s17+s2], $0x80, v4, vm0, $0xb8;
	[tilespmem:$0x1E200] =	vst v63  }
0x3e: {  	s1 =	simm.s32 $0x7A00  }
0x3f: {  	[tilespmem:s1], [sflag:$0x1] =	stream.indirect_vreg.gather [hbm4b:s3+s2], $0x80, v3, vm0, $0xb8;
	[tilespmem:$0x1E200] =	vst v63  }
0x40: {  	s24 =	simm.s32 $0x8200  }
0x41: {  	[tilespmem:s24], [sflag:$0x1] =	stream.indirect_vreg.gather [hbm4b:s4+s2], $0x80, v3, vm0, $0xb8;
	[tilespmem:$0x1E200] =	vst v63  }
0x42: {  	s1 =	simm.s32 $0x8A00  }
0x43: {  	[tilespmem:s1], [sflag:$0x1] =	stream.indirect_vreg.gather [hbm4b:s5+s2], $0x80, v3, vm0, $0xb8;
	[tilespmem:$0x1E200] =	vst v63  }
0x44: {  	s24 =	simm.s32 $0x9200  }
0x45: {  	[tilespmem:s24], [sflag:$0x1] =	stream.indirect_vreg.gather [hbm4b:s6+s2], $0x80, v3, vm0, $0xb8;
	[tilespmem:$0x1E200] =	vst v63  }
0x46: {  	s1 =	simm.s32 $0x9A00  }
0x47: {  	[tilespmem:s1], [sflag:$0x1] =	stream.indirect_vreg.gather [hbm4b:s7+s2], $0x80, v3, vm0, $0xb8;
	[tilespmem:$0x1E200] =	vst v63  }
0x48: {  	s24 =	simm.s32 $0xA200  }
0x49: {  	[tilespmem:s24], [sflag:$0x1] =	stream.indirect_vreg.gather [hbm4b:s8+s2], $0x80, v3, vm0, $0xb8;
	[tilespmem:$0x1E200] =	vst v63  }
0x4a: {  	s1 =	simm.s32 $0xAA00  }
0x4b: {  	[tilespmem:s1], [sflag:$0x1] =	stream.indirect_vreg.gather [hbm4b:s9+s2], $0x80, v3, vm0, $0xb8;
	[tilespmem:$0x1E200] =	vst v63  }
0x4c: {  	s24 =	simm.s32 $0xB200  }
0x4d: {  	[tilespmem:s24], [sflag:$0x1] =	stream.indirect_vreg.gather [hbm4b:s10+s2], $0x80, v3, vm0, $0xb8;
	[tilespmem:$0x1E200] =	vst v63  }
0x4e: {  	s1 =	simm.s32 $0xBA00  }
0x4f: {  	[tilespmem:s1], [sflag:$0x1] =	stream.indirect_vreg.gather [hbm4b:s11+s2], $0x80, v3, vm0, $0xb8;
	[tilespmem:$0x1E200] =	vst v63  }
0x50: {  	s24 =	simm.s32 $0xC200  }
0x51: {  	[tilespmem:s24], [sflag:$0x1] =	stream.indirect_vreg.gather [hbm4b:s12+s2], $0x80, v3, vm0, $0xb8;
	[tilespmem:$0x1E200] =	vst v63  }
0x52: {  	s1 =	simm.s32 $0xCA00  }
0x53: {  	[tilespmem:s1], [sflag:$0x1] =	stream.indirect_vreg.gather [hbm4b:s13+s2], $0x80, v3, vm0, $0xb8;
	[tilespmem:$0x1E200] =	vst v63  }
0x54: {  	s24 =	simm.s32 $0xD200  }
0x55: {  	[tilespmem:s24], [sflag:$0x1] =	stream.indirect_vreg.gather [hbm4b:s14+s2], $0x80, v3, vm0, $0xb8;
	[tilespmem:$0x1E200] =	vst v63  }
0x56: {  	s1 =	simm.s32 $0xDA00  }
0x57: {  	[tilespmem:s1], [sflag:$0x1] =	stream.indirect_vreg.gather [hbm4b:s15+s2], $0x80, v3, vm0, $0xb8;
	[tilespmem:$0x1E200] =	vst v63  }
0x58: {  	s24 =	simm.s32 $0xE200  }
0x59: {  	[tilespmem:s24], [sflag:$0x1] =	stream.indirect_vreg.gather [hbm4b:s16+s2], $0x80, v3, vm0, $0xb8;
	[tilespmem:$0x1E200] =	vst v63  }
0x5a: {  	s1 =	simm.s32 $0xEA00  }
0x5b: {  	[tilespmem:s1], [sflag:$0x1] =	stream.indirect_vreg.gather [hbm4b:s17+s2], $0x80, v3, vm0, $0xb8;
	[tilespmem:$0x1E200] =	vst v63  }
0x5c: {  	v3 =	vld [tilespmem:$0x80];
	_ =	sdelay $0x4  }
0x5d: {  	v61 =	vshrl.u32 v3, $0x3  }
0x5e: {  	v4 =	vmul.u32 $0xF0, v61  }
0x5f: {  	v3 =	vand.u32 $0x7, v3  }
0x60: {  	v3 =	vor.u32 v3, v4  }
0x61: {  	v4 =	vperm.xlane v3, v0;
	_ =	sdelay $0x1  }
0x62: {  	v4 =	vadd.s32 v1, v4;
	_ =	sdelay $0x3  }
0x63: {  	s0 =	simm.s32 $0xF200  }
0x64: {  	[tilespmem:s0], [sflag:$0x2] =	stream.indirect_vreg.gather [hbm4b:s3+s2], $0x80, v4, vm0, $0xb8;
	[tilespmem:$0x1E200] =	vst v63  }
0x65: {  	s1 =	simm.s32 $0xFA00  }
0x66: {  	[tilespmem:s1], [sflag:$0x2] =	stream.indirect_vreg.gather [hbm4b:s4+s2], $0x80, v4, vm0, $0xb8;
	[tilespmem:$0x1E200] =	vst v63  }
0x67: {  	s24 =	simm.s32 $0x10200  }
0x68: {  	[tilespmem:s24], [sflag:$0x2] =	stream.indirect_vreg.gather [hbm4b:s5+s2], $0x80, v4, vm0, $0xb8;
	[tilespmem:$0x1E200] =	vst v63  }
0x69: {  	s24 =	simm.s32 $0x10A00  }
0x6a: {  	[tilespmem:s24], [sflag:$0x2] =	stream.indirect_vreg.gather [hbm4b:s6+s2], $0x80, v4, vm0, $0xb8;
	[tilespmem:$0x1E200] =	vst v63  }
0x6b: {  	s24 =	simm.s32 $0x11200  }
0x6c: {  	[tilespmem:s24], [sflag:$0x2] =	stream.indirect_vreg.gather [hbm4b:s7+s2], $0x80, v4, vm0, $0xb8;
	[tilespmem:$0x1E200] =	vst v63  }
0x6d: {  	s24 =	simm.s32 $0x11A00  }
0x6e: {  	[tilespmem:s24], [sflag:$0x2] =	stream.indirect_vreg.gather [hbm4b:s8+s2], $0x80, v4, vm0, $0xb8;
	[tilespmem:$0x1E200] =	vst v63  }
0x6f: {  	s24 =	simm.s32 $0x12200  }
0x70: {  	[tilespmem:s24], [sflag:$0x2] =	stream.indirect_vreg.gather [hbm4b:s9+s2], $0x80, v4, vm0, $0xb8;
	[tilespmem:$0x1E200] =	vst v63  }
0x71: {  	s24 =	simm.s32 $0x12A00  }
0x72: {  	[tilespmem:s24], [sflag:$0x2] =	stream.indirect_vreg.gather [hbm4b:s10+s2], $0x80, v4, vm0, $0xb8;
	[tilespmem:$0x1E200] =	vst v63  }
0x73: {  	s24 =	simm.s32 $0x13200  }
0x74: {  	[tilespmem:s24], [sflag:$0x2] =	stream.indirect_vreg.gather [hbm4b:s11+s2], $0x80, v4, vm0, $0xb8;
	[tilespmem:$0x1E200] =	vst v63  }
0x75: {  	s24 =	simm.s32 $0x13A00  }
0x76: {  	[tilespmem:s24], [sflag:$0x2] =	stream.indirect_vreg.gather [hbm4b:s12+s2], $0x80, v4, vm0, $0xb8;
	[tilespmem:$0x1E200] =	vst v63  }
0x77: {  	s24 =	simm.s32 $0x14200  }
0x78: {  	[tilespmem:s24], [sflag:$0x2] =	stream.indirect_vreg.gather [hbm4b:s13+s2], $0x80, v4, vm0, $0xb8;
	[tilespmem:$0x1E200] =	vst v63  }
0x79: {  	s24 =	simm.s32 $0x14A00  }
0x7a: {  	[tilespmem:s24], [sflag:$0x2] =	stream.indirect_vreg.gather [hbm4b:s14+s2], $0x80, v4, vm0, $0xb8;
	[tilespmem:$0x1E200] =	vst v63  }
0x7b: {  	v3 =	vperm.xlane v3, v2;
	s24 =	simm.s32 $0x15200  }
0x7c: {  	[tilespmem:s24], [sflag:$0x2] =	stream.indirect_vreg.gather [hbm4b:s15+s2], $0x80, v4, vm0, $0xb8;
	[tilespmem:$0x1E200] =	vst v63  }
0x7d: {  	v3 =	vadd.s32 v1, v3;
	s24 =	simm.s32 $0x15A00  }
0x7e: {  	[tilespmem:s24], [sflag:$0x2] =	stream.indirect_vreg.gather [hbm4b:s16+s2], $0x80, v4, vm0, $0xb8;
	[tilespmem:$0x1E200] =	vst v63  }
0x7f: {  	s24 =	simm.s32 $0x16200  }
0x80: {  	[tilespmem:s24], [sflag:$0x2] =	stream.indirect_vreg.gather [hbm4b:s17+s2], $0x80, v4, vm0, $0xb8;
	[tilespmem:$0x1E200] =	vst v63  }
0x81: {  	s24 =	simm.s32 $0x16A00  }
0x82: {  	[tilespmem:s24], [sflag:$0x2] =	stream.indirect_vreg.gather [hbm4b:s3+s2], $0x80, v3, vm0, $0xb8;
	[tilespmem:$0x1E200] =	vst v63  }
0x83: {  	s24 =	simm.s32 $0x17200  }
0x84: {  	[tilespmem:s24], [sflag:$0x2] =	stream.indirect_vreg.gather [hbm4b:s4+s2], $0x80, v3, vm0, $0xb8;
	[tilespmem:$0x1E200] =	vst v63  }
0x85: {  	s24 =	simm.s32 $0x17A00  }
0x86: {  	[tilespmem:s24], [sflag:$0x2] =	stream.indirect_vreg.gather [hbm4b:s5+s2], $0x80, v3, vm0, $0xb8;
	[tilespmem:$0x1E200] =	vst v63  }
0x87: {  	s24 =	simm.s32 $0x18200  }
0x88: {  	[tilespmem:s24], [sflag:$0x2] =	stream.indirect_vreg.gather [hbm4b:s6+s2], $0x80, v3, vm0, $0xb8;
	[tilespmem:$0x1E200] =	vst v63  }
0x89: {  	s24 =	simm.s32 $0x18A00  }
0x8a: {  	[tilespmem:s24], [sflag:$0x2] =	stream.indirect_vreg.gather [hbm4b:s7+s2], $0x80, v3, vm0, $0xb8;
	[tilespmem:$0x1E200] =	vst v63  }
0x8b: {  	s24 =	simm.s32 $0x19200  }
0x8c: {  	[tilespmem:s24], [sflag:$0x2] =	stream.indirect_vreg.gather [hbm4b:s8+s2], $0x80, v3, vm0, $0xb8;
	[tilespmem:$0x1E200] =	vst v63  }
0x8d: {  	s24 =	simm.s32 $0x19A00  }
0x8e: {  	[tilespmem:s24], [sflag:$0x2] =	stream.indirect_vreg.gather [hbm4b:s9+s2], $0x80, v3, vm0, $0xb8;
	[tilespmem:$0x1E200] =	vst v63  }
0x8f: {  	s24 =	simm.s32 $0x1A200  }
0x90: {  	[tilespmem:s24], [sflag:$0x2] =	stream.indirect_vreg.gather [hbm4b:s10+s2], $0x80, v3, vm0, $0xb8;
	[tilespmem:$0x1E200] =	vst v63  }
0x91: {  	s24 =	simm.s32 $0x1AA00  }
0x92: {  	[tilespmem:s24], [sflag:$0x2] =	stream.indirect_vreg.gather [hbm4b:s11+s2], $0x80, v3, vm0, $0xb8;
	[tilespmem:$0x1E200] =	vst v63  }
0x93: {  	s24 =	simm.s32 $0x1B200  }
0x94: {  	[tilespmem:s24], [sflag:$0x2] =	stream.indirect_vreg.gather [hbm4b:s12+s2], $0x80, v3, vm0, $0xb8;
	[tilespmem:$0x1E200] =	vst v63  }
0x95: {  	s24 =	simm.s32 $0x1BA00  }
0x96: {  	[tilespmem:s24], [sflag:$0x2] =	stream.indirect_vreg.gather [hbm4b:s13+s2], $0x80, v3, vm0, $0xb8;
	[tilespmem:$0x1E200] =	vst v63  }
0x97: {  	s24 =	simm.s32 $0x1C200  }
0x98: {  	[tilespmem:s24], [sflag:$0x2] =	stream.indirect_vreg.gather [hbm4b:s14+s2], $0x80, v3, vm0, $0xb8;
	[tilespmem:$0x1E200] =	vst v63  }
0x99: {  	s24 =	simm.s32 $0x1CA00  }
0x9a: {  	[tilespmem:s24], [sflag:$0x2] =	stream.indirect_vreg.gather [hbm4b:s15+s2], $0x80, v3, vm0, $0xb8;
	[tilespmem:$0x1E200] =	vst v63  }
0x9b: {  	s24 =	simm.s32 $0x1D200  }
0x9c: {  	[tilespmem:s24], [sflag:$0x2] =	stream.indirect_vreg.gather [hbm4b:s16+s2], $0x80, v3, vm0, $0xb8;
	[tilespmem:$0x1E200] =	vst v63  }
0x9d: {  	s24 =	simm.s32 $0x1DA00  }
0x9e: {  	[tilespmem:s24], [sflag:$0x2] =	stream.indirect_vreg.gather [hbm4b:s17+s2], $0x80, v3, vm0, $0xb8;
	[tilespmem:$0x1E200] =	vst v63  }
0x9f: {  	_ =	swait.ge [sflag:s23], $0xF000  }
0xa0: {  	[sflag:s23] =	ssyncset.done $0x0  }
0xa1: {  	s1 =	simm.s32 $0x200;
	s24 =	rddreg [dreg:$0x4];
	[sflag:s23] =	ssyncadd.s32 $0xFFFF1000  }
0xa2: {  	[hbm4b:s24+s2] =	stream.linear.scatter [tilespmem:s1], [sflag:$0x3], $0xF000, $0x38;
	[tilespmem:$0x1E200] =	vst v63  }
0xa3: {  	_ =	swait.ge [sflag:s19], $0xF000  }
0xa4: {  	[sflag:s19] =	ssyncset.done $0x0  }
0xa5: {  	[sflag:s19] =	ssyncadd.s32 $0xFFFF1000  }
0xa6: {  	v3 =	vld [tilespmem:$0x100];
	_ =	sdelay $0x4  }
0xa7: {  	v62 =	vshrl.u32 v3, $0x3  }
0xa8: {  	v4 =	vmul.u32 $0xF0, v62  }
0xa9: {  	v3 =	vand.u32 $0x7, v3  }
0xaa: {  	v3 =	vor.u32 v3, v4  }
0xab: {  	v4 =	vperm.xlane v3, v0;
	_ =	sdelay $0x1  }
0xac: {  	v4 =	vadd.s32 v1, v4;
	_ =	sdelay $0x4  }
0xad: {  	[tilespmem:s1], [sflag:$0x1] =	stream.indirect_vreg.gather [hbm4b:s3+s2], $0x80, v4, vm0, $0xb8;
	[tilespmem:$0x1E200] =	vst v63  }
0xae: {  	_ = 	snop  }
0xaf: {  	[tilespmem:s25], [sflag:$0x1] =	stream.indirect_vreg.gather [hbm4b:s4+s2], $0x80, v4, vm0, $0xb8;
	[tilespmem:$0x1E200] =	vst v63  }
0xb0: {  	_ = 	snop  }
0xb1: {  	[tilespmem:s28], [sflag:$0x1] =	stream.indirect_vreg.gather [hbm4b:s5+s2], $0x80, v4, vm0, $0xb8;
	[tilespmem:$0x1E200] =	vst v63  }
0xb2: {  	_ = 	snop  }
0xb3: {  	[tilespmem:s29], [sflag:$0x1] =	stream.indirect_vreg.gather [hbm4b:s6+s2], $0x80, v4, vm0, $0xb8;
	[tilespmem:$0x1E200] =	vst v63  }
0xb4: {  	_ = 	snop  }
0xb5: {  	[tilespmem:s30], [sflag:$0x1] =	stream.indirect_vreg.gather [hbm4b:s7+s2], $0x80, v4, vm0, $0xb8;
	[tilespmem:$0x1E200] =	vst v63  }
0xb6: {  	_ = 	snop  }
0xb7: {  	[tilespmem:s31], [sflag:$0x1] =	stream.indirect_vreg.gather [hbm4b:s8+s2], $0x80, v4, vm0, $0xb8;
	[tilespmem:$0x1E200] =	vst v63  }
0xb8: {  	s24 =	simm.s32 $0x3200  }
0xb9: {  	[tilespmem:s24], [sflag:$0x1] =	stream.indirect_vreg.gather [hbm4b:s9+s2], $0x80, v4, vm0, $0xb8;
	[tilespmem:$0x1E200] =	vst v63  }
0xba: {  	s24 =	simm.s32 $0x3A00  }
0xbb: {  	[tilespmem:s24], [sflag:$0x1] =	stream.indirect_vreg.gather [hbm4b:s10+s2], $0x80, v4, vm0, $0xb8;
	[tilespmem:$0x1E200] =	vst v63  }
0xbc: {  	_ = 	snop  }
0xbd: {  	[tilespmem:s21], [sflag:$0x1] =	stream.indirect_vreg.gather [hbm4b:s11+s2], $0x80, v4, vm0, $0xb8;
	[tilespmem:$0x1E200] =	vst v63  }
0xbe: {  	s24 =	simm.s32 $0x4A00  }
0xbf: {  	[tilespmem:s24], [sflag:$0x1] =	stream.indirect_vreg.gather [hbm4b:s12+s2], $0x80, v4, vm0, $0xb8;
	[tilespmem:$0x1E200] =	vst v63  }
0xc0: {  	_ = 	snop  }
0xc1: {  	[tilespmem:s22], [sflag:$0x1] =	stream.indirect_vreg.gather [hbm4b:s13+s2], $0x80, v4, vm0, $0xb8;
	[tilespmem:$0x1E200] =	vst v63  }
0xc2: {  	_ = 	snop  }
0xc3: {  	[tilespmem:s26], [sflag:$0x1] =	stream.indirect_vreg.gather [hbm4b:s14+s2], $0x80, v4, vm0, $0xb8;
	[tilespmem:$0x1E200] =	vst v63  }
0xc4: {  	v3 =	vperm.xlane v3, v2;
	s24 =	simm.s32 $0x6200  }
0xc5: {  	[tilespmem:s24], [sflag:$0x1] =	stream.indirect_vreg.gather [hbm4b:s15+s2], $0x80, v4, vm0, $0xb8;
	[tilespmem:$0x1E200] =	vst v63  }
0xc6: {  	v3 =	vadd.s32 v1, v3;
	s24 =	simm.s32 $0x6A00  }
0xc7: {  	[tilespmem:s24], [sflag:$0x1] =	stream.indirect_vreg.gather [hbm4b:s16+s2], $0x80, v4, vm0, $0xb8;
	[tilespmem:$0x1E200] =	vst v63  }
0xc8: {  	s24 =	simm.s32 $0x7200  }
0xc9: {  	[tilespmem:s24], [sflag:$0x1] =	stream.indirect_vreg.gather [hbm4b:s17+s2], $0x80, v4, vm0, $0xb8;
	[tilespmem:$0x1E200] =	vst v63  }
0xca: {  	s24 =	simm.s32 $0x7A00  }
0xcb: {  	[tilespmem:s24], [sflag:$0x1] =	stream.indirect_vreg.gather [hbm4b:s3+s2], $0x80, v3, vm0, $0xb8;
	[tilespmem:$0x1E200] =	vst v63  }
0xcc: {  	s24 =	simm.s32 $0x8200  }
0xcd: {  	[tilespmem:s24], [sflag:$0x1] =	stream.indirect_vreg.gather [hbm4b:s4+s2], $0x80, v3, vm0, $0xb8;
	[tilespmem:$0x1E200] =	vst v63  }
0xce: {  	s24 =	simm.s32 $0x8A00  }
0xcf: {  	[tilespmem:s24], [sflag:$0x1] =	stream.indirect_vreg.gather [hbm4b:s5+s2], $0x80, v3, vm0, $0xb8;
	[tilespmem:$0x1E200] =	vst v63  }
0xd0: {  	s24 =	simm.s32 $0x9200  }
0xd1: {  	[tilespmem:s24], [sflag:$0x1] =	stream.indirect_vreg.gather [hbm4b:s6+s2], $0x80, v3, vm0, $0xb8;
	[tilespmem:$0x1E200] =	vst v63  }
0xd2: {  	s24 =	simm.s32 $0x9A00  }
0xd3: {  	[tilespmem:s24], [sflag:$0x1] =	stream.indirect_vreg.gather [hbm4b:s7+s2], $0x80, v3, vm0, $0xb8;
	[tilespmem:$0x1E200] =	vst v63  }
0xd4: {  	s24 =	simm.s32 $0xA200  }
0xd5: {  	[tilespmem:s24], [sflag:$0x1] =	stream.indirect_vreg.gather [hbm4b:s8+s2], $0x80, v3, vm0, $0xb8;
	[tilespmem:$0x1E200] =	vst v63  }
0xd6: {  	s24 =	simm.s32 $0xAA00  }
0xd7: {  	[tilespmem:s24], [sflag:$0x1] =	stream.indirect_vreg.gather [hbm4b:s9+s2], $0x80, v3, vm0, $0xb8;
	[tilespmem:$0x1E200] =	vst v63  }
0xd8: {  	s24 =	simm.s32 $0xB200  }
0xd9: {  	[tilespmem:s24], [sflag:$0x1] =	stream.indirect_vreg.gather [hbm4b:s10+s2], $0x80, v3, vm0, $0xb8;
	[tilespmem:$0x1E200] =	vst v63  }
0xda: {  	s24 =	simm.s32 $0xBA00  }
0xdb: {  	[tilespmem:s24], [sflag:$0x1] =	stream.indirect_vreg.gather [hbm4b:s11+s2], $0x80, v3, vm0, $0xb8;
	[tilespmem:$0x1E200] =	vst v63  }
0xdc: {  	s24 =	simm.s32 $0xC200  }
0xdd: {  	[tilespmem:s24], [sflag:$0x1] =	stream.indirect_vreg.gather [hbm4b:s12+s2], $0x80, v3, vm0, $0xb8;
	[tilespmem:$0x1E200] =	vst v63  }
0xde: {  	s24 =	simm.s32 $0xCA00  }
0xdf: {  	[tilespmem:s24], [sflag:$0x1] =	stream.indirect_vreg.gather [hbm4b:s13+s2], $0x80, v3, vm0, $0xb8;
	[tilespmem:$0x1E200] =	vst v63  }
0xe0: {  	s24 =	simm.s32 $0xD200  }
0xe1: {  	[tilespmem:s24], [sflag:$0x1] =	stream.indirect_vreg.gather [hbm4b:s14+s2], $0x80, v3, vm0, $0xb8;
	[tilespmem:$0x1E200] =	vst v63  }
0xe2: {  	s24 =	simm.s32 $0xDA00  }
0xe3: {  	[tilespmem:s24], [sflag:$0x1] =	stream.indirect_vreg.gather [hbm4b:s15+s2], $0x80, v3, vm0, $0xb8;
	[tilespmem:$0x1E200] =	vst v63  }
0xe4: {  	s24 =	simm.s32 $0xE200  }
0xe5: {  	[tilespmem:s24], [sflag:$0x1] =	stream.indirect_vreg.gather [hbm4b:s16+s2], $0x80, v3, vm0, $0xb8;
	[tilespmem:$0x1E200] =	vst v63  }
0xe6: {  	s24 =	simm.s32 $0xEA00  }
0xe7: {  	[tilespmem:s24], [sflag:$0x1] =	stream.indirect_vreg.gather [hbm4b:s17+s2], $0x80, v3, vm0, $0xb8;
	[tilespmem:$0x1E200] =	vst v63  }
0xe8: {  	_ =	swait.ge [sflag:s20], $0xF000  }
0xe9: {  	[sflag:s20] =	ssyncset.done $0x0  }
0xea: {  	s1 =	rddreg [dreg:$0x5];
	[sflag:s20] =	ssyncadd.s32 $0xFFFF1000  }
0xeb: {  	[hbm4b:s1+s2] =	stream.linear.scatter [tilespmem:s0], [sflag:$0x3], $0xF000, $0x38;
	[tilespmem:$0x1E200] =	vst v63  }
0xec: {  	_ =	swait.ge [sflag:s19], $0xF000  }
0xed: {  	[sflag:s19] =	ssyncset.done $0x0  }
0xee: {  	[sflag:s19] =	ssyncadd.s32 $0xFFFF1000  }
0xef: {  	v3 =	vld [tilespmem:$0x180];
	_ =	sdelay $0x4  }
0xf0: {  	v63 =	vshrl.u32 v3, $0x3  }
0xf1: {  	v4 =	vmul.u32 $0xF0, v63  }
0xf2: {  	v3 =	vand.u32 $0x7, v3  }
0xf3: {  	v3 =	vor.u32 v3, v4  }
0xf4: {  	v4 =	vperm.xlane v3, v0;
	_ =	sdelay $0x1  }
0xf5: {  	v4 =	vadd.s32 v1, v4;
	_ =	sdelay $0x4  }
0xf6: {  	[tilespmem:s0], [sflag:$0x2] =	stream.indirect_vreg.gather [hbm4b:s3+s2], $0x80, v4, vm0, $0xb8;
	[tilespmem:$0x1E200] =	vst v63  }
0xf7: {  	s24 =	simm.s32 $0xFA00  }
0xf8: {  	[tilespmem:s24], [sflag:$0x2] =	stream.indirect_vreg.gather [hbm4b:s4+s2], $0x80, v4, vm0, $0xb8;
	[tilespmem:$0x1E200] =	vst v63  }
0xf9: {  	s24 =	simm.s32 $0x10200  }
0xfa: {  	[tilespmem:s24], [sflag:$0x2] =	stream.indirect_vreg.gather [hbm4b:s5+s2], $0x80, v4, vm0, $0xb8;
	[tilespmem:$0x1E200] =	vst v63  }
0xfb: {  	s24 =	simm.s32 $0x10A00  }
0xfc: {  	[tilespmem:s24], [sflag:$0x2] =	stream.indirect_vreg.gather [hbm4b:s6+s2], $0x80, v4, vm0, $0xb8;
	[tilespmem:$0x1E200] =	vst v63  }
0xfd: {  	s24 =	simm.s32 $0x11200  }
0xfe: {  	[tilespmem:s24], [sflag:$0x2] =	stream.indirect_vreg.gather [hbm4b:s7+s2], $0x80, v4, vm0, $0xb8;
	[tilespmem:$0x1E200] =	vst v63  }
0xff: {  	s24 =	simm.s32 $0x11A00  }
0x100: {  	[tilespmem:s24], [sflag:$0x2] =	stream.indirect_vreg.gather [hbm4b:s8+s2], $0x80, v4, vm0, $0xb8;
	[tilespmem:$0x1E200] =	vst v63  }
0x101: {  	s24 =	simm.s32 $0x12200  }
0x102: {  	[tilespmem:s24], [sflag:$0x2] =	stream.indirect_vreg.gather [hbm4b:s9+s2], $0x80, v4, vm0, $0xb8;
	[tilespmem:$0x1E200] =	vst v63  }
0x103: {  	s24 =	simm.s32 $0x12A00  }
0x104: {  	[tilespmem:s24], [sflag:$0x2] =	stream.indirect_vreg.gather [hbm4b:s10+s2], $0x80, v4, vm0, $0xb8;
	[tilespmem:$0x1E200] =	vst v63  }
0x105: {  	s24 =	simm.s32 $0x13200  }
0x106: {  	[tilespmem:s24], [sflag:$0x2] =	stream.indirect_vreg.gather [hbm4b:s11+s2], $0x80, v4, vm0, $0xb8;
	[tilespmem:$0x1E200] =	vst v63  }
0x107: {  	s24 =	simm.s32 $0x13A00  }
0x108: {  	[tilespmem:s24], [sflag:$0x2] =	stream.indirect_vreg.gather [hbm4b:s12+s2], $0x80, v4, vm0, $0xb8;
	[tilespmem:$0x1E200] =	vst v63  }
0x109: {  	s24 =	simm.s32 $0x14200  }
0x10a: {  	[tilespmem:s24], [sflag:$0x2] =	stream.indirect_vreg.gather [hbm4b:s13+s2], $0x80, v4, vm0, $0xb8;
	[tilespmem:$0x1E200] =	vst v63  }
0x10b: {  	s24 =	simm.s32 $0x14A00  }
0x10c: {  	[tilespmem:s24], [sflag:$0x2] =	stream.indirect_vreg.gather [hbm4b:s14+s2], $0x80, v4, vm0, $0xb8;
	[tilespmem:$0x1E200] =	vst v63  }
0x10d: {  	v3 =	vperm.xlane v3, v2;
	s24 =	simm.s32 $0x15200  }
0x10e: {  	[tilespmem:s24], [sflag:$0x2] =	stream.indirect_vreg.gather [hbm4b:s15+s2], $0x80, v4, vm0, $0xb8;
	[tilespmem:$0x1E200] =	vst v63  }
0x10f: {  	v3 =	vadd.s32 v1, v3;
	s24 =	simm.s32 $0x15A00  }
0x110: {  	[tilespmem:s24], [sflag:$0x2] =	stream.indirect_vreg.gather [hbm4b:s16+s2], $0x80, v4, vm0, $0xb8;
	[tilespmem:$0x1E200] =	vst v63  }
0x111: {  	s24 =	simm.s32 $0x16200  }
0x112: {  	[tilespmem:s24], [sflag:$0x2] =	stream.indirect_vreg.gather [hbm4b:s17+s2], $0x80, v4, vm0, $0xb8;
	[tilespmem:$0x1E200] =	vst v63  }
0x113: {  	s24 =	simm.s32 $0x16A00  }
0x114: {  	[tilespmem:s24], [sflag:$0x2] =	stream.indirect_vreg.gather [hbm4b:s3+s2], $0x80, v3, vm0, $0xb8;
	[tilespmem:$0x1E200] =	vst v63  }
0x115: {  	s24 =	simm.s32 $0x17200  }
0x116: {  	[tilespmem:s24], [sflag:$0x2] =	stream.indirect_vreg.gather [hbm4b:s4+s2], $0x80, v3, vm0, $0xb8;
	[tilespmem:$0x1E200] =	vst v63  }
0x117: {  	s24 =	simm.s32 $0x17A00  }
0x118: {  	[tilespmem:s24], [sflag:$0x2] =	stream.indirect_vreg.gather [hbm4b:s5+s2], $0x80, v3, vm0, $0xb8;
	[tilespmem:$0x1E200] =	vst v63  }
0x119: {  	s24 =	simm.s32 $0x18200  }
0x11a: {  	[tilespmem:s24], [sflag:$0x2] =	stream.indirect_vreg.gather [hbm4b:s6+s2], $0x80, v3, vm0, $0xb8;
	[tilespmem:$0x1E200] =	vst v63  }
0x11b: {  	s24 =	simm.s32 $0x18A00  }
0x11c: {  	[tilespmem:s24], [sflag:$0x2] =	stream.indirect_vreg.gather [hbm4b:s7+s2], $0x80, v3, vm0, $0xb8;
	[tilespmem:$0x1E200] =	vst v63  }
0x11d: {  	s24 =	simm.s32 $0x19200  }
0x11e: {  	[tilespmem:s24], [sflag:$0x2] =	stream.indirect_vreg.gather [hbm4b:s8+s2], $0x80, v3, vm0, $0xb8;
	[tilespmem:$0x1E200] =	vst v63  }
0x11f: {  	s24 =	simm.s32 $0x19A00  }
0x120: {  	[tilespmem:s24], [sflag:$0x2] =	stream.indirect_vreg.gather [hbm4b:s9+s2], $0x80, v3, vm0, $0xb8;
	[tilespmem:$0x1E200] =	vst v63  }
0x121: {  	s24 =	simm.s32 $0x1A200  }
0x122: {  	[tilespmem:s24], [sflag:$0x2] =	stream.indirect_vreg.gather [hbm4b:s10+s2], $0x80, v3, vm0, $0xb8;
	[tilespmem:$0x1E200] =	vst v63  }
0x123: {  	s24 =	simm.s32 $0x1AA00  }
0x124: {  	[tilespmem:s24], [sflag:$0x2] =	stream.indirect_vreg.gather [hbm4b:s11+s2], $0x80, v3, vm0, $0xb8;
	[tilespmem:$0x1E200] =	vst v63  }
0x125: {  	s24 =	simm.s32 $0x1B200  }
0x126: {  	[tilespmem:s24], [sflag:$0x2] =	stream.indirect_vreg.gather [hbm4b:s12+s2], $0x80, v3, vm0, $0xb8;
	[tilespmem:$0x1E200] =	vst v63  }
0x127: {  	s24 =	simm.s32 $0x1BA00  }
0x128: {  	[tilespmem:s24], [sflag:$0x2] =	stream.indirect_vreg.gather [hbm4b:s13+s2], $0x80, v3, vm0, $0xb8;
	[tilespmem:$0x1E200] =	vst v63  }
0x129: {  	s24 =	simm.s32 $0x1C200  }
0x12a: {  	[tilespmem:s24], [sflag:$0x2] =	stream.indirect_vreg.gather [hbm4b:s14+s2], $0x80, v3, vm0, $0xb8;
	[tilespmem:$0x1E200] =	vst v63  }
0x12b: {  	s24 =	simm.s32 $0x1CA00  }
0x12c: {  	[tilespmem:s24], [sflag:$0x2] =	stream.indirect_vreg.gather [hbm4b:s15+s2], $0x80, v3, vm0, $0xb8;
	[tilespmem:$0x1E200] =	vst v63  }
0x12d: {  	s24 =	simm.s32 $0x1D200  }
0x12e: {  	[tilespmem:s24], [sflag:$0x2] =	stream.indirect_vreg.gather [hbm4b:s16+s2], $0x80, v3, vm0, $0xb8;
	[tilespmem:$0x1E200] =	vst v63  }
0x12f: {  	s24 =	simm.s32 $0x1DA00  }
0x130: {  	[tilespmem:s24], [sflag:$0x2] =	stream.indirect_vreg.gather [hbm4b:s17+s2], $0x80, v3, vm0, $0xb8;
	[tilespmem:$0x1E200] =	vst v63  }
0x131: {  	_ =	swait.ge [sflag:s23], $0xF000  }
0x132: {  	[sflag:s23] =	ssyncset.done $0x0  }
0x133: {  	s1 =	simm.s32 $0x200;
	s24 =	rddreg [dreg:$0x6];
	[sflag:s23] =	ssyncadd.s32 $0xFFFF1000  }
0x134: {  	[hbm4b:s24+s2] =	stream.linear.scatter [tilespmem:s1], [sflag:$0x3], $0xF000, $0x38;
	[tilespmem:$0x1E200] =	vst v63  }
0x135: {  	_ =	swait.ge [sflag:s19], $0xF000  }
0x136: {  	[sflag:s19] =	ssyncset.done $0x0  }
0x137: {  	[sflag:s19] =	ssyncadd.s32 $0xFFFF1000  }
0x138: {  	_ =	swait.ge [sflag:s20], $0xF000  }
0x139: {  	p0 =	sne.s32 s18, $0x1;
	[sflag:s20] =	ssyncset.done $0x0  }
.Ltmp0:
0x13a: {  	s1 =	rddreg [dreg:$0x7];
	[sflag:s20] =	ssyncadd.s32 $0xFFFF1000;
	(pc) =	sbr.rel @p0 .LBB2_1-.Ltmp0, $4  }
0x13b: {  	[hbm4b:s1+s2] =	stream.linear.scatter [tilespmem:s0], [sflag:$0x3], $0xF000, $0x38;
	[tilespmem:$0x1E200] =	vst v63  }
0x13c: {  	_ =	swait.ge [sflag:s19], $0xF000  }
0x13d: {  	[sflag:s19] =	ssyncset.done $0x0  }
0x13e: {  	s18 =	sadd.s32 $0xFFFFFFFF, s18;
	[sflag:s19] =	ssyncadd.s32 $0xFFFF1000  }
0x13f: {  	_ =	sfence.sel $0x180000  }
0x140: {  	[bflag:$0x0] =	sbarrier.arrive $0xFFFF  }
0x141: {  	_ =	strace $0x90000047  }
0x142: {  	s0 =	stileid.u32;
	[bflag:$0x2] =	sbarrier.arrive $0xFFFF  }
0x143: {  	p0 =	sne.s32 s0, $0x0;
	s0 =	rddreg [dreg:$0x2]  }
0x144: {  	s0 =	sadd.s32 @!p0 $0x100000, s0  }
0x145: {  	[sflag:s0] =	ssyncadd.tile.s32 @!p0 $0x1;
	_ =	shalt  }
.Lfunc_end2:
_tile_overlayer_lowered:
.L_overlay_start_2:
0x146: {  	(tag) =	ssettag $0x2  }
0x147: {  	s0 =	rddreg [dreg:$0x0];
	s2 =	stileid.u32  }
0x148: {  	s1 =	rddreg [dreg:$0x1];
	p0 =	sne.s32 s2, $0x0  }
0x149: {  	s3 =	rddreg [dreg:$0x2];
	[bflag:$0x3] =	sbarrier.arrive $0xFFFF;
	s2 =	simm.s32 @!p0 $0x1C03  }
0x14a: {  	[timem:s3], [sflag:s2] =	dma.local @!p0 [hbm:s0], s1  }
0x14b: {  	s0 =	simm.s32 @!p0 $0x3  }
0x14c: {  	_ =	swait.ge @!p0 [sflag:s0], s1  }
0x14d: {  	s1 =	ssub.s32 @!p0 $0x0, s1;
	[sflag:s0] =	ssyncset.done @!p0 $0x0  }
0x14e: {  	[sflag:s0] =	ssyncadd.s32 @!p0 s1  }
0x14f: {  	[bflag:$0x3] =	sbarrier.arrive $0xFFFF  }
0x150: {  	_ =	shalt  }

</sc_bundles>
